<compile_context>
chip_gen: v7x
topology: tpu7x:2x2x1
jax: 0.10.2.dev20260603
libtpu: 0.0.44.dev20260713+nightly
codegen_flags: <defaults>
</compile_context>

<pallas_src>
import functools

import jax
import jax.numpy as jnp
from jax import lax
from jax.experimental import pallas as pl
from jax.experimental.pallas import tpu as pltpu
from jax.experimental.pallas import tpu_sc as plsc

_N = 10000
_E = 320000
_D_IN = 128
_D_H = 128
_D_OUT = 64
_EPS = 1e-5

_NP = 10240
_NC = 2
_NS = 16
_ROWS_PER_TILE = _NP // _NS
_EDGES_PER_SC = _E // _NC
_EDGES_PER_TILE = _EDGES_PER_SC // _NS
_CH = 80
_NCHUNK = _EDGES_PER_TILE // _CH


@functools.partial(jax.jit, static_argnames=("d",))
def _sc_segment_sum(g, src, dst, zeros, d):
    mesh = plsc.VectorSubcoreMesh(core_axis_name="c", subcore_axis_name="s")

    @functools.partial(
        pl.kernel,
        out_type=jax.ShapeDtypeStruct((_NC * _NP, d), jnp.float32),
        mesh=mesh,
        scratch_types=[
            pltpu.VMEM((_EDGES_PER_TILE,), jnp.int32),
            pltpu.VMEM((_NCHUNK, _CH), jnp.int32),
            pltpu.VMEM((_CH, d), jnp.float32),
            pltpu.VMEM((_CH, d), jnp.float32),
            pltpu.VMEM_SHARED((_NP, d), jnp.float32),
            pltpu.SemaphoreType.DMA,
            pltpu.SemaphoreType.DMA,
            pltpu.SemaphoreType.DMA,
            pltpu.SemaphoreType.DMA,
            pltpu.SemaphoreType.DMA,
            pltpu.SemaphoreType.DMA,
        ],
    )
    def seg(g_hbm, src_hbm, dst_hbm, z_hbm, out_hbm, src_v, dst_v,
            rows_a, rows_b, acc, sem_ga, sem_gb, sem_sa, sem_sb,
            sem_ga2, sem_gb2):
        c = lax.axis_index("c")
        s = lax.axis_index("s")
        row0 = s * _ROWS_PER_TILE
        pltpu.sync_copy(z_hbm, rows_a)
        nz = _ROWS_PER_TILE // _CH

        def zissue(j, carry):
            pltpu.async_copy(rows_a, acc.at[pl.ds(row0 + j * _CH, _CH)],
                             sem_sa)
            return carry

        lax.fori_loop(0, nz, zissue, 0)
        pltpu.async_copy(src_hbm.at[c, s], src_v, sem_ga)
        pltpu.async_copy(dst_hbm.at[c, s], dst_v, sem_gb)

        def zdrain(j, carry):
            pltpu.make_async_copy(rows_a, acc.at[pl.ds(row0, _CH)],
                                  sem_sa).wait()
            return carry

        lax.fori_loop(0, nz, zdrain, 0)
        pltpu.make_async_copy(src_hbm.at[c, s], src_v, sem_ga).wait()
        pltpu.make_async_copy(dst_hbm.at[c, s], dst_v, sem_gb).wait()
        plsc.subcore_barrier()

        _H = _CH // 2

        def issue_gather(i, buf, sem_lo, sem_hi):
            pltpu.async_copy(g_hbm.at[src_v.at[pl.ds(i * _CH, _H)]],
                             buf.at[pl.ds(0, _H)], sem_lo)
            pltpu.async_copy(g_hbm.at[src_v.at[pl.ds(i * _CH + _H, _H)]],
                             buf.at[pl.ds(_H, _H)], sem_hi)

        def wait_gather(i, buf, sem_lo, sem_hi):
            pltpu.make_async_copy(g_hbm.at[src_v.at[pl.ds(i * _CH, _H)]],
                                  buf.at[pl.ds(0, _H)], sem_lo).wait()
            pltpu.make_async_copy(g_hbm.at[src_v.at[pl.ds(i * _CH, _H)]],
                                  buf.at[pl.ds(_H, _H)], sem_hi).wait()

        issue_gather(0, rows_a, sem_ga, sem_ga2)
        issue_gather(1, rows_b, sem_gb, sem_gb2)

        def pair(k, carry):
            i0 = 2 * k
            i1 = i0 + 1
            wait_gather(i0, rows_a, sem_ga, sem_ga2)
            pltpu.async_copy(rows_a, acc.at[dst_v.at[i0]], sem_sa, add=True)
            wait_gather(i1, rows_b, sem_gb, sem_gb2)
            pltpu.async_copy(rows_b, acc.at[dst_v.at[i1]], sem_sb, add=True)
            pltpu.make_async_copy(rows_a, acc.at[dst_v.at[i0]], sem_sa).wait()
            issue_gather(i0 + 2, rows_a, sem_ga, sem_ga2)
            ib = jnp.minimum(i1 + 2, _NCHUNK - 1)
            pltpu.make_async_copy(rows_b, acc.at[dst_v.at[i1]], sem_sb).wait()
            issue_gather(ib, rows_b, sem_gb, sem_gb2)
            return carry

        lax.fori_loop(0, (_NCHUNK - 1) // 2, pair, 0)
        last = _NCHUNK - 1
        wait_gather(last, rows_a, sem_ga, sem_ga2)
        pltpu.sync_copy(rows_a, acc.at[dst_v.at[last]], add=True)
        wait_gather(last, rows_b, sem_gb, sem_gb2)
        plsc.subcore_barrier()

        r0a = row0
        r0b = row0 + _CH
        pltpu.sync_copy(acc.at[pl.ds(r0a, _CH)], rows_a)
        pltpu.async_copy(rows_a, out_hbm.at[pl.ds(c * _NP + r0a, _CH)], sem_sa)
        pltpu.sync_copy(acc.at[pl.ds(r0b, _CH)], rows_b)
        pltpu.async_copy(rows_b, out_hbm.at[pl.ds(c * _NP + r0b, _CH)], sem_sb)

        def wpair(j, carry):
            ra = row0 + (2 * j + 2) * _CH
            rb = row0 + (2 * j + 3) * _CH
            pltpu.make_async_copy(
                rows_a, out_hbm.at[pl.ds(c * _NP + ra, _CH)], sem_sa).wait()
            pltpu.sync_copy(acc.at[pl.ds(ra, _CH)], rows_a)
            pltpu.async_copy(rows_a, out_hbm.at[pl.ds(c * _NP + ra, _CH)],
                             sem_sa)
            pltpu.make_async_copy(
                rows_b, out_hbm.at[pl.ds(c * _NP + rb, _CH)], sem_sb).wait()
            pltpu.sync_copy(acc.at[pl.ds(rb, _CH)], rows_b)
            pltpu.async_copy(rows_b, out_hbm.at[pl.ds(c * _NP + rb, _CH)],
                             sem_sb)
            return carry

        lax.fori_loop(0, _ROWS_PER_TILE // (2 * _CH) - 1, wpair, 0)
        pltpu.make_async_copy(
            rows_a, out_hbm.at[pl.ds(c * _NP + row0, _CH)], sem_sa).wait()
        pltpu.make_async_copy(
            rows_b, out_hbm.at[pl.ds(c * _NP + row0, _CH)], sem_sb).wait()

    return seg(g, src, dst, zeros)


def _dot(a, b):
    return jnp.dot(a, b, preferred_element_type=jnp.float32)


def _tc_pre_body(x_ref, w_ref, g_ref):
    g_ref[...] = _dot(x_ref[...], w_ref[...])


def _tc_mid_body(msgp_ref, h_ref, wroot_ref, b_ref, gam_ref, bet_ref,
                 wnext_ref, h_out_ref, g_out_ref):
    msg = msgp_ref[pl.ds(0, _N), :] + msgp_ref[pl.ds(_NP, _N), :]
    u = msg + _dot(h_ref[...], wroot_ref[...]) + b_ref[...]
    mu = jnp.mean(u, axis=0, keepdims=True)
    var = jnp.mean((u - mu) ** 2, axis=0, keepdims=True)
    hn = (u - mu) * lax.rsqrt(var + _EPS) * gam_ref[...] + bet_ref[...]
    h1 = jnp.maximum(hn, 0.0)
    h_out_ref[...] = h1
    g_out_ref[...] = _dot(h1, wnext_ref[...])


def _tc_mid2_body(msgp_ref, h_ref, wroot_ref, b_ref, gam_ref, bet_ref,
                  h_out_ref):
    msg = msgp_ref[pl.ds(0, _N), :] + msgp_ref[pl.ds(_NP, _N), :]
    u = msg + _dot(h_ref[...], wroot_ref[...]) + b_ref[...]
    mu = jnp.mean(u, axis=0, keepdims=True)
    var = jnp.mean((u - mu) ** 2, axis=0, keepdims=True)
    hn = (u - mu) * lax.rsqrt(var + _EPS) * gam_ref[...] + bet_ref[...]
    h_out_ref[...] = jnp.maximum(hn, 0.0)


def _tc_final_body(msgp_ref, h_ref, wrel_ref, wroot_ref, b_ref, out_ref):
    msg = msgp_ref[pl.ds(0, _N), :] + msgp_ref[pl.ds(_NP, _N), :]
    u = (_dot(msg, wrel_ref[...]) +
         _dot(h_ref[...], wroot_ref[...]) + b_ref[...])
    m = jnp.max(u, axis=-1, keepdims=True)
    lse = jnp.log(jnp.sum(jnp.exp(u - m), axis=-1, keepdims=True)) + m
    out_ref[...] = u - lse


def _tc_pre(x, w_t, d_out):
    return pl.pallas_call(
        _tc_pre_body,
        out_shape=jax.ShapeDtypeStruct((_N, d_out), jnp.float32),
    )(x, w_t)


def _tc_mid(msgp, h, wroot_t, b, gam, bet, wnext_t, d_next):
    return pl.pallas_call(
        _tc_mid_body,
        out_shape=(jax.ShapeDtypeStruct((_N, _D_H), jnp.float32),
                   jax.ShapeDtypeStruct((_N, d_next), jnp.float32)),
    )(msgp, h, wroot_t, b, gam, bet, wnext_t)


def _tc_mid2(msgp, h, wroot_t, b, gam, bet):
    return pl.pallas_call(
        _tc_mid2_body,
        out_shape=jax.ShapeDtypeStruct((_N, _D_H), jnp.float32),
    )(msgp, h, wroot_t, b, gam, bet)


def _tc_final(msgp, h, wrel_t, wroot_t, b):
    return pl.pallas_call(
        _tc_final_body,
        out_shape=jax.ShapeDtypeStruct((_N, _D_OUT), jnp.float32),
    )(msgp, h, wrel_t, wroot_t, b)


def kernel(x, edge_index, W_rel1, b_rel1, W_root1, gamma1, beta1,
           W_rel2, b_rel2, W_root2, gamma2, beta2,
           W_rel3, b_rel3, W_root3):
    src = edge_index[0].reshape(_NC, _NS, _EDGES_PER_TILE)
    dst = edge_index[1].reshape(_NC, _NS, _NCHUNK, _CH)
    zeros_h = jnp.zeros((_CH, _D_H), jnp.float32)

    g1 = _tc_pre(x, W_rel1.T, _D_H)
    m1 = _sc_segment_sum(g1, src, dst, zeros_h, d=_D_H)
    h1, g2 = _tc_mid(m1, x, W_root1.T, b_rel1.reshape(1, -1),
                     gamma1.reshape(1, -1), beta1.reshape(1, -1),
                     W_rel2.T, _D_H)
    m2 = _sc_segment_sum(g2, src, dst, zeros_h, d=_D_H)
    h2 = _tc_mid2(m2, h1, W_root2.T, b_rel2.reshape(1, -1),
                  gamma2.reshape(1, -1), beta2.reshape(1, -1))
    m3 = _sc_segment_sum(h2, src, dst, zeros_h, d=_D_H)
    return _tc_final(m3, h2, W_rel3.T, W_root3.T, b_rel3.reshape(1, -1))

# --- scband reference (transcript-rebuilt; emitter-appended) ---
"""Pipeline reference for scband-graph-saint-73735998538337 (READ-ONLY COPY).

The authoritative reference and input builder live on the scoring server;
editing this copy changes nothing except your own understanding.
"""

import jax, jax.numpy as jnp
import numpy as np

N = 10000
E = 320000
D_IN = 128
D_H = 128
D_OUT = 64
EPS = 1e-5


def setup_inputs(seed: int = 0) -> dict:
    key = jax.random.key(seed)
    ks = jax.random.split(key, 20)
    s = 0.05
    inp = {}
    inp['x'] = jax.random.normal(ks[0], (N, D_IN), dtype=jnp.float32)
    inp['edge_index'] = jax.random.randint(ks[1], (2, E), 0, N, dtype=jnp.int32)
    # layer 1: GraphConv(D_IN -> D_H): lin_rel (with bias) on aggregated msgs + lin_root (no bias)
    inp['W_rel1'] = jax.random.normal(ks[2], (D_H, D_IN), dtype=jnp.float32) * s
    inp['b_rel1'] = jnp.zeros((D_H,), dtype=jnp.float32)
    inp['W_root1'] = jax.random.normal(ks[3], (D_H, D_IN), dtype=jnp.float32) * s
    inp['gamma1'] = jnp.ones((D_H,), dtype=jnp.float32)
    inp['beta1'] = jnp.zeros((D_H,), dtype=jnp.float32)
    # layer 2: GraphConv(D_H -> D_H)
    inp['W_rel2'] = jax.random.normal(ks[4], (D_H, D_H), dtype=jnp.float32) * s
    inp['b_rel2'] = jnp.zeros((D_H,), dtype=jnp.float32)
    inp['W_root2'] = jax.random.normal(ks[5], (D_H, D_H), dtype=jnp.float32) * s
    inp['gamma2'] = jnp.ones((D_H,), dtype=jnp.float32)
    inp['beta2'] = jnp.zeros((D_H,), dtype=jnp.float32)
    # layer 3: GraphConv(D_H -> D_OUT)
    inp['W_rel3'] = jax.random.normal(ks[6], (D_OUT, D_H), dtype=jnp.float32) * s
    inp['b_rel3'] = jnp.zeros((D_OUT,), dtype=jnp.float32)
    inp['W_root3'] = jax.random.normal(ks[7], (D_OUT, D_H), dtype=jnp.float32) * s
    return inp


def _graph_conv(h, src, dst, W_rel, b_rel, W_root):
    # PyG GraphConv with aggr='add': out_i = W_root h_i + W_rel * sum_{j->i} h_j + b
    msg = jax.ops.segment_sum(h[src], dst, num_segments=N)
    return msg @ W_rel.T + b_rel + h @ W_root.T


def _batch_norm(h, gamma, beta):
    mu = jnp.mean(h, axis=0)
    var = jnp.mean((h - mu) ** 2, axis=0)
    return (h - mu) / jnp.sqrt(var + EPS) * gamma + beta


def reference(x, edge_index, W_rel1, b_rel1, W_root1, gamma1, beta1,
              W_rel2, b_rel2, W_root2, gamma2, beta2,
              W_rel3, b_rel3, W_root3):
    src = edge_index[0]
    dst = edge_index[1]
    h = _graph_conv(x, src, dst, W_rel1, b_rel1, W_root1)
    h = _batch_norm(h, gamma1, beta1)
    h = jax.nn.relu(h)
    # dropout is identity in eval mode
    h = _graph_conv(h, src, dst, W_rel2, b_rel2, W_root2)
    h = _batch_norm(h, gamma2, beta2)
    h = jax.nn.relu(h)
    h = _graph_conv(h, src, dst, W_rel3, b_rel3, W_root3)
    return jax.nn.log_softmax(h, axis=-1)

if __name__ == "__main__":
    import jax
    _d = setup_inputs()
    print(jax.jit(kernel)(*tuple(_d.values())))

</pallas_src>

<mosaic_0001>
#map = affine_map<(d0, d1) -> (0, 0)>
#map1 = affine_map<(d0, d1) -> (0, 0, 0)>
#map2 = affine_map<(d0, d1) -> (0, 0, 0, 0)>
module attributes {stable_mosaic.version = 14 : i64} {
  func.func @seg(%arg0: i32, %arg1: i32, %arg2: memref<10000x128xf32, #tpu.memory_space<hbm>>, %arg3: memref<2x16x10000xi32, #tpu.memory_space<hbm>>, %arg4: memref<2x16x125x80xi32, #tpu.memory_space<hbm>>, %arg5: memref<80x128xf32, #tpu.memory_space<hbm>>, %arg6: memref<20480x128xf32, #tpu.memory_space<hbm>>, %arg7: memref<10000xi32, #tpu.memory_space<vmem>>, %arg8: memref<125x80xi32, #tpu.memory_space<vmem>>, %arg9: memref<80x128xf32, #tpu.memory_space<vmem>>, %arg10: memref<80x128xf32, #tpu.memory_space<vmem>>, %arg11: memref<10240x128xf32, #tpu.memory_space<vmem_shared>>, %arg12: memref<!tpu.dma_semaphore, #tpu.memory_space<semaphore_mem>>, %arg13: memref<!tpu.dma_semaphore, #tpu.memory_space<semaphore_mem>>, %arg14: memref<!tpu.dma_semaphore, #tpu.memory_space<semaphore_mem>>, %arg15: memref<!tpu.dma_semaphore, #tpu.memory_space<semaphore_mem>>, %arg16: memref<!tpu.dma_semaphore, #tpu.memory_space<semaphore_mem>>, %arg17: memref<!tpu.dma_semaphore, #tpu.memory_space<semaphore_mem>>) attributes {dimension_semantics = [#tpu.dimension_semantics<core_parallel>, #tpu.dimension_semantics<subcore_parallel>], iteration_bounds = array<i64: 2, 16>, scalar_prefetch = 0 : i64, scratch_operands = 11 : i64, tpu.core_type = #tpu.core_type<sc_vector_subcore>, window_params = [{transform_indices = #map}, {transform_indices = #map1}, {transform_indices = #map2}, {transform_indices = #map}, {transform_indices = #map}]} {
    %mul3A = arith.constant 640 : i32
    %mul3A_0 = arith.muli %arg1, %mul3A : i32
    "tpu.region"() ({
      %run_scoped3A_144 = tpu.sem_alloc : memref<!tpu.dma_semaphore, #tpu.memory_space<semaphore_mem>>
      tpu.enqueue_dma source(%arg5 : memref<80x128xf32, #tpu.memory_space<hbm>>) target(%arg9 : memref<80x128xf32, #tpu.memory_space<vmem>>) target_semaphore(%run_scoped3A_144 : memref<!tpu.dma_semaphore, #tpu.memory_space<semaphore_mem>>)
      tpu.wait_dma2 semaphore(%run_scoped3A_144 : memref<!tpu.dma_semaphore, #tpu.memory_space<semaphore_mem>>) src(%arg5 : memref<80x128xf32, #tpu.memory_space<hbm>>) dst(%arg9 : memref<80x128xf32, #tpu.memory_space<vmem>>)
      tpu.yield
    }) : () -> ()
    %scan3A = arith.constant 0 : i32
    %scan3A_1 = arith.constant 0 : i32
    %scan3A_2 = arith.constant 8 : i32
    %scan3A_3 = arith.addi %scan3A_1, %scan3A_2 : i32
    %scan3A_4 = arith.constant 1 : i32
    scf.for %scan3A_144 = %scan3A_1 to %scan3A_3 step %scan3A_4  : i32 {
      %mul3A_145 = arith.constant 80 : i32
      %mul3A_146 = arith.muli %scan3A_144, %mul3A_145 : i32
      %add3A_147 = arith.addi %mul3A_0, %mul3A_146 : i32
      %dma_start3A_148 = arith.constant 0 : i32
      %dma_start3A_149 = tpu.memref_slice %arg11[%add3A_147, %dma_start3A_148] : memref<10240x128xf32, #tpu.memory_space<vmem_shared>> -> memref<80x128xf32, #tpu.memory_space<vmem_shared>>
      %dma_start3A_150 = arith.constant 0 : i32
      %dma_start3A_151 = tpu.memref_slice %arg11[%add3A_147, %dma_start3A_150] : memref<10240x128xf32, #tpu.memory_space<vmem_shared>> -> memref<80x128xf32, #tpu.memory_space<vmem_shared>>
      tpu.enqueue_dma source(%arg9 : memref<80x128xf32, #tpu.memory_space<vmem>>) target(%dma_start3A_151 : memref<80x128xf32, #tpu.memory_space<vmem_shared>>) target_semaphore(%arg14 : memref<!tpu.dma_semaphore, #tpu.memory_space<semaphore_mem>>)
    }
    %scan3A_5 = arith.constant 8 : i32
    %dma_start3A = arith.constant 0 : i32
    %dma_start3A_6 = tpu.memref_slice %arg3[%arg0, %arg1, %dma_start3A] : memref<2x16x10000xi32, #tpu.memory_space<hbm>> -> memref<1x1x10000xi32, #tpu.memory_space<hbm>>
    %dma_start3A_7 = tpu.memref_squeeze %dma_start3A_6 : memref<1x1x10000xi32, #tpu.memory_space<hbm>> -> memref<10000xi32, #tpu.memory_space<hbm>>
    %dma_start3A_8 = arith.constant 0 : i32
    %dma_start3A_9 = tpu.memref_slice %arg3[%arg0, %arg1, %dma_start3A_8] : memref<2x16x10000xi32, #tpu.memory_space<hbm>> -> memref<1x1x10000xi32, #tpu.memory_space<hbm>>
    %dma_start3A_10 = tpu.memref_squeeze %dma_start3A_9 : memref<1x1x10000xi32, #tpu.memory_space<hbm>> -> memref<10000xi32, #tpu.memory_space<hbm>>
    tpu.enqueue_dma source(%dma_start3A_10 : memref<10000xi32, #tpu.memory_space<hbm>>) target(%arg7 : memref<10000xi32, #tpu.memory_space<vmem>>) target_semaphore(%arg12 : memref<!tpu.dma_semaphore, #tpu.memory_space<semaphore_mem>>)
    %dma_start3A_11 = arith.constant 0 : i32
    %dma_start3A_12 = arith.constant 0 : i32
    %dma_start3A_13 = tpu.memref_slice %arg4[%arg0, %arg1, %dma_start3A_11, %dma_start3A_12] : memref<2x16x125x80xi32, #tpu.memory_space<hbm>> -> memref<1x1x125x80xi32, #tpu.memory_space<hbm>>
    %dma_start3A_14 = tpu.memref_squeeze %dma_start3A_13 : memref<1x1x125x80xi32, #tpu.memory_space<hbm>> -> memref<125x80xi32, #tpu.memory_space<hbm>>
    %dma_start3A_15 = arith.constant 0 : i32
    %dma_start3A_16 = arith.constant 0 : i32
    %dma_start3A_17 = tpu.memref_slice %arg4[%arg0, %arg1, %dma_start3A_15, %dma_start3A_16] : memref<2x16x125x80xi32, #tpu.memory_space<hbm>> -> memref<1x1x125x80xi32, #tpu.memory_space<hbm>>
    %dma_start3A_18 = tpu.memref_squeeze %dma_start3A_17 : memref<1x1x125x80xi32, #tpu.memory_space<hbm>> -> memref<125x80xi32, #tpu.memory_space<hbm>>
    tpu.enqueue_dma source(%dma_start3A_18 : memref<125x80xi32, #tpu.memory_space<hbm>>) target(%arg8 : memref<125x80xi32, #tpu.memory_space<vmem>>) target_semaphore(%arg13 : memref<!tpu.dma_semaphore, #tpu.memory_space<semaphore_mem>>)
    %scan3A_19 = arith.constant 0 : i32
    %scan3A_20 = arith.constant 0 : i32
    %scan3A_21 = arith.constant 8 : i32
    %scan3A_22 = arith.addi %scan3A_20, %scan3A_21 : i32
    %scan3A_23 = arith.constant 1 : i32
    scf.for %scan3A_144 = %scan3A_20 to %scan3A_22 step %scan3A_23  : i32 {
      %dma_wait3A_145 = arith.constant 0 : i32
      %dma_wait3A_146 = tpu.memref_slice %arg11[%mul3A_0, %dma_wait3A_145] : memref<10240x128xf32, #tpu.memory_space<vmem_shared>> -> memref<80x128xf32, #tpu.memory_space<vmem_shared>>
      %dma_wait3A_147 = arith.constant 0 : i32
      %dma_wait3A_148 = tpu.memref_slice %arg11[%mul3A_0, %dma_wait3A_147] : memref<10240x128xf32, #tpu.memory_space<vmem_shared>> -> memref<80x128xf32, #tpu.memory_space<vmem_shared>>
      tpu.wait_dma2 semaphore(%arg14 : memref<!tpu.dma_semaphore, #tpu.memory_space<semaphore_mem>>) src(%arg9 : memref<80x128xf32, #tpu.memory_space<vmem>>) dst(%dma_wait3A_148 : memref<80x128xf32, #tpu.memory_space<vmem_shared>>)
    }
    %scan3A_24 = arith.constant 8 : i32
    %dma_wait3A = arith.constant 0 : i32
    %dma_wait3A_25 = tpu.memref_slice %arg3[%arg0, %arg1, %dma_wait3A] : memref<2x16x10000xi32, #tpu.memory_space<hbm>> -> memref<1x1x10000xi32, #tpu.memory_space<hbm>>
    %dma_wait3A_26 = tpu.memref_squeeze %dma_wait3A_25 : memref<1x1x10000xi32, #tpu.memory_space<hbm>> -> memref<10000xi32, #tpu.memory_space<hbm>>
    %dma_wait3A_27 = arith.constant 0 : i32
    %dma_wait3A_28 = tpu.memref_slice %arg3[%arg0, %arg1, %dma_wait3A_27] : memref<2x16x10000xi32, #tpu.memory_space<hbm>> -> memref<1x1x10000xi32, #tpu.memory_space<hbm>>
    %dma_wait3A_29 = tpu.memref_squeeze %dma_wait3A_28 : memref<1x1x10000xi32, #tpu.memory_space<hbm>> -> memref<10000xi32, #tpu.memory_space<hbm>>
    tpu.wait_dma2 semaphore(%arg12 : memref<!tpu.dma_semaphore, #tpu.memory_space<semaphore_mem>>) src(%dma_wait3A_29 : memref<10000xi32, #tpu.memory_space<hbm>>) dst(%arg7 : memref<10000xi32, #tpu.memory_space<vmem>>)
    %dma_wait3A_30 = arith.constant 0 : i32
    %dma_wait3A_31 = arith.constant 0 : i32
    %dma_wait3A_32 = tpu.memref_slice %arg4[%arg0, %arg1, %dma_wait3A_30, %dma_wait3A_31] : memref<2x16x125x80xi32, #tpu.memory_space<hbm>> -> memref<1x1x125x80xi32, #tpu.memory_space<hbm>>
    %dma_wait3A_33 = tpu.memref_squeeze %dma_wait3A_32 : memref<1x1x125x80xi32, #tpu.memory_space<hbm>> -> memref<125x80xi32, #tpu.memory_space<hbm>>
    %dma_wait3A_34 = arith.constant 0 : i32
    %dma_wait3A_35 = arith.constant 0 : i32
    %dma_wait3A_36 = tpu.memref_slice %arg4[%arg0, %arg1, %dma_wait3A_34, %dma_wait3A_35] : memref<2x16x125x80xi32, #tpu.memory_space<hbm>> -> memref<1x1x125x80xi32, #tpu.memory_space<hbm>>
    %dma_wait3A_37 = tpu.memref_squeeze %dma_wait3A_36 : memref<1x1x125x80xi32, #tpu.memory_space<hbm>> -> memref<125x80xi32, #tpu.memory_space<hbm>>
    tpu.wait_dma2 semaphore(%arg13 : memref<!tpu.dma_semaphore, #tpu.memory_space<semaphore_mem>>) src(%dma_wait3A_37 : memref<125x80xi32, #tpu.memory_space<hbm>>) dst(%arg8 : memref<125x80xi32, #tpu.memory_space<vmem>>)
    %barrier3A = arith.constant 0 : index
    tpu.barrier barrier_id(%barrier3A)
    %dma_start3A_38 = arith.constant 0 : i32
    %dma_start3A_39 = arith.constant 0 : i32
    %dma_start3A_40 = tpu.memref_slice %arg9[%dma_start3A_38, %dma_start3A_39] : memref<80x128xf32, #tpu.memory_space<vmem>> -> memref<40x128xf32, #tpu.memory_space<vmem>>
    %dma_start3A_41 = arith.constant 0 : i32
    %dma_start3A_42 = tpu.memref_slice %arg7[%dma_start3A_41] : memref<10000xi32, #tpu.memory_space<vmem>> -> memref<40xi32, #tpu.memory_space<vmem>>
    %dma_start3A_43 = arith.constant 0 : i32
    %dma_start3A_44 = arith.constant 0 : i32
    %dma_start3A_45 = tpu.memref_slice %arg2[%dma_start3A_43, %dma_start3A_44] : memref<10000x128xf32, #tpu.memory_space<hbm>> -> memref<10000x128xf32, #tpu.memory_space<hbm>>
    tpu.enqueue_indirect_dma source(%dma_start3A_45 : memref<10000x128xf32, #tpu.memory_space<hbm>>) target(%dma_start3A_40 : memref<40x128xf32, #tpu.memory_space<vmem>>) offsets(%dma_start3A_42 : memref<40xi32, #tpu.memory_space<vmem>>) semaphore(%arg12 : memref<!tpu.dma_semaphore, #tpu.memory_space<semaphore_mem>>)
    %dma_start3A_46 = arith.constant 40 : i32
    %dma_start3A_47 = arith.constant 0 : i32
    %dma_start3A_48 = tpu.memref_slice %arg9[%dma_start3A_46, %dma_start3A_47] : memref<80x128xf32, #tpu.memory_space<vmem>> -> memref<40x128xf32, #tpu.memory_space<vmem>>
    %dma_start3A_49 = arith.constant 40 : i32
    %dma_start3A_50 = tpu.memref_slice %arg7[%dma_start3A_49] : memref<10000xi32, #tpu.memory_space<vmem>> -> memref<40xi32, #tpu.memory_space<vmem>>
    %dma_start3A_51 = arith.constant 0 : i32
    %dma_start3A_52 = arith.constant 0 : i32
    %dma_start3A_53 = tpu.memref_slice %arg2[%dma_start3A_51, %dma_start3A_52] : memref<10000x128xf32, #tpu.memory_space<hbm>> -> memref<10000x128xf32, #tpu.memory_space<hbm>>
    tpu.enqueue_indirect_dma source(%dma_start3A_53 : memref<10000x128xf32, #tpu.memory_space<hbm>>) target(%dma_start3A_48 : memref<40x128xf32, #tpu.memory_space<vmem>>) offsets(%dma_start3A_50 : memref<40xi32, #tpu.memory_space<vmem>>) semaphore(%arg16 : memref<!tpu.dma_semaphore, #tpu.memory_space<semaphore_mem>>)
    %dma_start3A_54 = arith.constant 0 : i32
    %dma_start3A_55 = arith.constant 0 : i32
    %dma_start3A_56 = tpu.memref_slice %arg10[%dma_start3A_54, %dma_start3A_55] : memref<80x128xf32, #tpu.memory_space<vmem>> -> memref<40x128xf32, #tpu.memory_space<vmem>>
    %dma_start3A_57 = arith.constant 80 : i32
    %dma_start3A_58 = tpu.memref_slice %arg7[%dma_start3A_57] : memref<10000xi32, #tpu.memory_space<vmem>> -> memref<40xi32, #tpu.memory_space<vmem>>
    %dma_start3A_59 = arith.constant 0 : i32
    %dma_start3A_60 = arith.constant 0 : i32
    %dma_start3A_61 = tpu.memref_slice %arg2[%dma_start3A_59, %dma_start3A_60] : memref<10000x128xf32, #tpu.memory_space<hbm>> -> memref<10000x128xf32, #tpu.memory_space<hbm>>
    tpu.enqueue_indirect_dma source(%dma_start3A_61 : memref<10000x128xf32, #tpu.memory_space<hbm>>) target(%dma_start3A_56 : memref<40x128xf32, #tpu.memory_space<vmem>>) offsets(%dma_start3A_58 : memref<40xi32, #tpu.memory_space<vmem>>) semaphore(%arg13 : memref<!tpu.dma_semaphore, #tpu.memory_space<semaphore_mem>>)
    %dma_start3A_62 = arith.constant 40 : i32
    %dma_start3A_63 = arith.constant 0 : i32
    %dma_start3A_64 = tpu.memref_slice %arg10[%dma_start3A_62, %dma_start3A_63] : memref<80x128xf32, #tpu.memory_space<vmem>> -> memref<40x128xf32, #tpu.memory_space<vmem>>
    %dma_start3A_65 = arith.constant 120 : i32
    %dma_start3A_66 = tpu.memref_slice %arg7[%dma_start3A_65] : memref<10000xi32, #tpu.memory_space<vmem>> -> memref<40xi32, #tpu.memory_space<vmem>>
    %dma_start3A_67 = arith.constant 0 : i32
    %dma_start3A_68 = arith.constant 0 : i32
    %dma_start3A_69 = tpu.memref_slice %arg2[%dma_start3A_67, %dma_start3A_68] : memref<10000x128xf32, #tpu.memory_space<hbm>> -> memref<10000x128xf32, #tpu.memory_space<hbm>>
    tpu.enqueue_indirect_dma source(%dma_start3A_69 : memref<10000x128xf32, #tpu.memory_space<hbm>>) target(%dma_start3A_64 : memref<40x128xf32, #tpu.memory_space<vmem>>) offsets(%dma_start3A_66 : memref<40xi32, #tpu.memory_space<vmem>>) semaphore(%arg17 : memref<!tpu.dma_semaphore, #tpu.memory_space<semaphore_mem>>)
    %scan3A_70 = arith.constant 0 : i32
    %scan3A_71 = arith.constant 0 : i32
    %scan3A_72 = arith.constant 62 : i32
    %scan3A_73 = arith.addi %scan3A_71, %scan3A_72 : i32
    %scan3A_74 = arith.constant 1 : i32
    scf.for %scan3A_144 = %scan3A_71 to %scan3A_73 step %scan3A_74  : i32 {
      %mul3A_145 = arith.constant 2 : i32
      %mul3A_146 = arith.muli %mul3A_145, %scan3A_144 : i32
      %add3A_147 = arith.constant 1 : i32
      %add3A_148 = arith.addi %mul3A_146, %add3A_147 : i32
      %mul3A_149 = arith.constant 80 : i32
      %mul3A_150 = arith.muli %mul3A_146, %mul3A_149 : i32
      %dma_wait3A_151 = arith.constant 0 : i32
      %dma_wait3A_152 = arith.constant 0 : i32
      %dma_wait3A_153 = tpu.memref_slice %arg9[%dma_wait3A_151, %dma_wait3A_152] : memref<80x128xf32, #tpu.memory_space<vmem>> -> memref<40x128xf32, #tpu.memory_space<vmem>>
      %dma_wait3A_154 = tpu.memref_slice %arg7[%mul3A_150] : memref<10000xi32, #tpu.memory_space<vmem>> -> memref<40xi32, #tpu.memory_space<vmem>>
      %dma_wait3A_155 = arith.constant 0 : i32
      %dma_wait3A_156 = arith.constant 0 : i32
      %dma_wait3A_157 = tpu.memref_slice %arg2[%dma_wait3A_155, %dma_wait3A_156] : memref<10000x128xf32, #tpu.memory_space<hbm>> -> memref<10000x128xf32, #tpu.memory_space<hbm>>
      tpu.wait_indirect_dma semaphore(%arg12 : memref<!tpu.dma_semaphore, #tpu.memory_space<semaphore_mem>>) src(%dma_wait3A_157 : memref<10000x128xf32, #tpu.memory_space<hbm>>) dst(%dma_wait3A_153 : memref<40x128xf32, #tpu.memory_space<vmem>>)
      %mul3A_158 = arith.constant 80 : i32
      %mul3A_159 = arith.muli %mul3A_146, %mul3A_158 : i32
      %dma_wait3A_160 = arith.constant 40 : i32
      %dma_wait3A_161 = arith.constant 0 : i32
      %dma_wait3A_162 = tpu.memref_slice %arg9[%dma_wait3A_160, %dma_wait3A_161] : memref<80x128xf32, #tpu.memory_space<vmem>> -> memref<40x128xf32, #tpu.memory_space<vmem>>
      %dma_wait3A_163 = tpu.memref_slice %arg7[%mul3A_159] : memref<10000xi32, #tpu.memory_space<vmem>> -> memref<40xi32, #tpu.memory_space<vmem>>
      %dma_wait3A_164 = arith.constant 0 : i32
      %dma_wait3A_165 = arith.constant 0 : i32
      %dma_wait3A_166 = tpu.memref_slice %arg2[%dma_wait3A_164, %dma_wait3A_165] : memref<10000x128xf32, #tpu.memory_space<hbm>> -> memref<10000x128xf32, #tpu.memory_space<hbm>>
      tpu.wait_indirect_dma semaphore(%arg16 : memref<!tpu.dma_semaphore, #tpu.memory_space<semaphore_mem>>) src(%dma_wait3A_166 : memref<10000x128xf32, #tpu.memory_space<hbm>>) dst(%dma_wait3A_162 : memref<40x128xf32, #tpu.memory_space<vmem>>)
      %dma_start3A_167 = arith.constant 0 : i32
      %dma_start3A_168 = tpu.memref_slice %arg8[%mul3A_146, %dma_start3A_167] : memref<125x80xi32, #tpu.memory_space<vmem>> -> memref<1x80xi32, #tpu.memory_space<vmem>>
      %dma_start3A_169 = tpu.memref_squeeze %dma_start3A_168 : memref<1x80xi32, #tpu.memory_space<vmem>> -> memref<80xi32, #tpu.memory_space<vmem>>
      %dma_start3A_170 = arith.constant 0 : i32
      %dma_start3A_171 = arith.constant 0 : i32
      %dma_start3A_172 = tpu.memref_slice %arg11[%dma_start3A_170, %dma_start3A_171] : memref<10240x128xf32, #tpu.memory_space<vmem_shared>> -> memref<10240x128xf32, #tpu.memory_space<vmem_shared>>
      tpu.enqueue_indirect_dma source(%arg9 : memref<80x128xf32, #tpu.memory_space<vmem>>) target(%dma_start3A_172 : memref<10240x128xf32, #tpu.memory_space<vmem_shared>>) offsets(%dma_start3A_169 : memref<80xi32, #tpu.memory_space<vmem>>) semaphore(%arg14 : memref<!tpu.dma_semaphore, #tpu.memory_space<semaphore_mem>>) {add = true}
      %mul3A_173 = arith.constant 80 : i32
      %mul3A_174 = arith.muli %add3A_148, %mul3A_173 : i32
      %dma_wait3A_175 = arith.constant 0 : i32
      %dma_wait3A_176 = arith.constant 0 : i32
      %dma_wait3A_177 = tpu.memref_slice %arg10[%dma_wait3A_175, %dma_wait3A_176] : memref<80x128xf32, #tpu.memory_space<vmem>> -> memref<40x128xf32, #tpu.memory_space<vmem>>
      %dma_wait3A_178 = tpu.memref_slice %arg7[%mul3A_174] : memref<10000xi32, #tpu.memory_space<vmem>> -> memref<40xi32, #tpu.memory_space<vmem>>
      %dma_wait3A_179 = arith.constant 0 : i32
      %dma_wait3A_180 = arith.constant 0 : i32
      %dma_wait3A_181 = tpu.memref_slice %arg2[%dma_wait3A_179, %dma_wait3A_180] : memref<10000x128xf32, #tpu.memory_space<hbm>> -> memref<10000x128xf32, #tpu.memory_space<hbm>>
      tpu.wait_indirect_dma semaphore(%arg13 : memref<!tpu.dma_semaphore, #tpu.memory_space<semaphore_mem>>) src(%dma_wait3A_181 : memref<10000x128xf32, #tpu.memory_space<hbm>>) dst(%dma_wait3A_177 : memref<40x128xf32, #tpu.memory_space<vmem>>)
      %mul3A_182 = arith.constant 80 : i32
      %mul3A_183 = arith.muli %add3A_148, %mul3A_182 : i32
      %dma_wait3A_184 = arith.constant 40 : i32
      %dma_wait3A_185 = arith.constant 0 : i32
      %dma_wait3A_186 = tpu.memref_slice %arg10[%dma_wait3A_184, %dma_wait3A_185] : memref<80x128xf32, #tpu.memory_space<vmem>> -> memref<40x128xf32, #tpu.memory_space<vmem>>
      %dma_wait3A_187 = tpu.memref_slice %arg7[%mul3A_183] : memref<10000xi32, #tpu.memory_space<vmem>> -> memref<40xi32, #tpu.memory_space<vmem>>
      %dma_wait3A_188 = arith.constant 0 : i32
      %dma_wait3A_189 = arith.constant 0 : i32
      %dma_wait3A_190 = tpu.memref_slice %arg2[%dma_wait3A_188, %dma_wait3A_189] : memref<10000x128xf32, #tpu.memory_space<hbm>> -> memref<10000x128xf32, #tpu.memory_space<hbm>>
      tpu.wait_indirect_dma semaphore(%arg17 : memref<!tpu.dma_semaphore, #tpu.memory_space<semaphore_mem>>) src(%dma_wait3A_190 : memref<10000x128xf32, #tpu.memory_space<hbm>>) dst(%dma_wait3A_186 : memref<40x128xf32, #tpu.memory_space<vmem>>)
      %dma_start3A_191 = arith.constant 0 : i32
      %dma_start3A_192 = tpu.memref_slice %arg8[%add3A_148, %dma_start3A_191] : memref<125x80xi32, #tpu.memory_space<vmem>> -> memref<1x80xi32, #tpu.memory_space<vmem>>
      %dma_start3A_193 = tpu.memref_squeeze %dma_start3A_192 : memref<1x80xi32, #tpu.memory_space<vmem>> -> memref<80xi32, #tpu.memory_space<vmem>>
      %dma_start3A_194 = arith.constant 0 : i32
      %dma_start3A_195 = arith.constant 0 : i32
      %dma_start3A_196 = tpu.memref_slice %arg11[%dma_start3A_194, %dma_start3A_195] : memref<10240x128xf32, #tpu.memory_space<vmem_shared>> -> memref<10240x128xf32, #tpu.memory_space<vmem_shared>>
      tpu.enqueue_indirect_dma source(%arg10 : memref<80x128xf32, #tpu.memory_space<vmem>>) target(%dma_start3A_196 : memref<10240x128xf32, #tpu.memory_space<vmem_shared>>) offsets(%dma_start3A_193 : memref<80xi32, #tpu.memory_space<vmem>>) semaphore(%arg15 : memref<!tpu.dma_semaphore, #tpu.memory_space<semaphore_mem>>) {add = true}
      %dma_wait3A_197 = arith.constant 0 : i32
      %dma_wait3A_198 = tpu.memref_slice %arg8[%mul3A_146, %dma_wait3A_197] : memref<125x80xi32, #tpu.memory_space<vmem>> -> memref<1x80xi32, #tpu.memory_space<vmem>>
      %dma_wait3A_199 = tpu.memref_squeeze %dma_wait3A_198 : memref<1x80xi32, #tpu.memory_space<vmem>> -> memref<80xi32, #tpu.memory_space<vmem>>
      %dma_wait3A_200 = arith.constant 0 : i32
      %dma_wait3A_201 = arith.constant 0 : i32
      %dma_wait3A_202 = tpu.memref_slice %arg11[%dma_wait3A_200, %dma_wait3A_201] : memref<10240x128xf32, #tpu.memory_space<vmem_shared>> -> memref<10240x128xf32, #tpu.memory_space<vmem_shared>>
      tpu.wait_indirect_dma semaphore(%arg14 : memref<!tpu.dma_semaphore, #tpu.memory_space<semaphore_mem>>) src(%arg9 : memref<80x128xf32, #tpu.memory_space<vmem>>) dst(%dma_wait3A_202 : memref<10240x128xf32, #tpu.memory_space<vmem_shared>>)
      %add3A_203 = arith.constant 2 : i32
      %add3A_204 = arith.addi %mul3A_146, %add3A_203 : i32
      %mul3A_205 = arith.constant 80 : i32
      %mul3A_206 = arith.muli %add3A_204, %mul3A_205 : i32
      %dma_start3A_207 = arith.constant 0 : i32
      %dma_start3A_208 = arith.constant 0 : i32
      %dma_start3A_209 = tpu.memref_slice %arg9[%dma_start3A_207, %dma_start3A_208] : memref<80x128xf32, #tpu.memory_space<vmem>> -> memref<40x128xf32, #tpu.memory_space<vmem>>
      %dma_start3A_210 = tpu.memref_slice %arg7[%mul3A_206] : memref<10000xi32, #tpu.memory_space<vmem>> -> memref<40xi32, #tpu.memory_space<vmem>>
      %dma_start3A_211 = arith.constant 0 : i32
      %dma_start3A_212 = arith.constant 0 : i32
      %dma_start3A_213 = tpu.memref_slice %arg2[%dma_start3A_211, %dma_start3A_212] : memref<10000x128xf32, #tpu.memory_space<hbm>> -> memref<10000x128xf32, #tpu.memory_space<hbm>>
      tpu.enqueue_indirect_dma source(%dma_start3A_213 : memref<10000x128xf32, #tpu.memory_space<hbm>>) target(%dma_start3A_209 : memref<40x128xf32, #tpu.memory_space<vmem>>) offsets(%dma_start3A_210 : memref<40xi32, #tpu.memory_space<vmem>>) semaphore(%arg12 : memref<!tpu.dma_semaphore, #tpu.memory_space<semaphore_mem>>)
      %mul3A_214 = arith.constant 80 : i32
      %mul3A_215 = arith.muli %add3A_204, %mul3A_214 : i32
      %add3A_216 = arith.constant 40 : i32
      %add3A_217 = arith.addi %mul3A_215, %add3A_216 : i32
      %dma_start3A_218 = arith.constant 40 : i32
      %dma_start3A_219 = arith.constant 0 : i32
      %dma_start3A_220 = tpu.memref_slice %arg9[%dma_start3A_218, %dma_start3A_219] : memref<80x128xf32, #tpu.memory_space<vmem>> -> memref<40x128xf32, #tpu.memory_space<vmem>>
      %dma_start3A_221 = tpu.memref_slice %arg7[%add3A_217] : memref<10000xi32, #tpu.memory_space<vmem>> -> memref<40xi32, #tpu.memory_space<vmem>>
      %dma_start3A_222 = arith.constant 0 : i32
      %dma_start3A_223 = arith.constant 0 : i32
      %dma_start3A_224 = tpu.memref_slice %arg2[%dma_start3A_222, %dma_start3A_223] : memref<10000x128xf32, #tpu.memory_space<hbm>> -> memref<10000x128xf32, #tpu.memory_space<hbm>>
      tpu.enqueue_indirect_dma source(%dma_start3A_224 : memref<10000x128xf32, #tpu.memory_space<hbm>>) target(%dma_start3A_220 : memref<40x128xf32, #tpu.memory_space<vmem>>) offsets(%dma_start3A_221 : memref<40xi32, #tpu.memory_space<vmem>>) semaphore(%arg16 : memref<!tpu.dma_semaphore, #tpu.memory_space<semaphore_mem>>)
      %add3A_225 = arith.constant 2 : i32
      %add3A_226 = arith.addi %add3A_148, %add3A_225 : i32
      %min3A = arith.constant 124 : i32
      %min3A_227 = arith.minsi %add3A_226, %min3A : i32
      %dma_wait3A_228 = arith.constant 0 : i32
      %dma_wait3A_229 = tpu.memref_slice %arg8[%add3A_148, %dma_wait3A_228] : memref<125x80xi32, #tpu.memory_space<vmem>> -> memref<1x80xi32, #tpu.memory_space<vmem>>
      %dma_wait3A_230 = tpu.memref_squeeze %dma_wait3A_229 : memref<1x80xi32, #tpu.memory_space<vmem>> -> memref<80xi32, #tpu.memory_space<vmem>>
      %dma_wait3A_231 = arith.constant 0 : i32
      %dma_wait3A_232 = arith.constant 0 : i32
      %dma_wait3A_233 = tpu.memref_slice %arg11[%dma_wait3A_231, %dma_wait3A_232] : memref<10240x128xf32, #tpu.memory_space<vmem_shared>> -> memref<10240x128xf32, #tpu.memory_space<vmem_shared>>
      tpu.wait_indirect_dma semaphore(%arg15 : memref<!tpu.dma_semaphore, #tpu.memory_space<semaphore_mem>>) src(%arg10 : memref<80x128xf32, #tpu.memory_space<vmem>>) dst(%dma_wait3A_233 : memref<10240x128xf32, #tpu.memory_space<vmem_shared>>)
      %mul3A_234 = arith.constant 80 : i32
      %mul3A_235 = arith.muli %min3A_227, %mul3A_234 : i32
      %dma_start3A_236 = arith.constant 0 : i32
      %dma_start3A_237 = arith.constant 0 : i32
      %dma_start3A_238 = tpu.memref_slice %arg10[%dma_start3A_236, %dma_start3A_237] : memref<80x128xf32, #tpu.memory_space<vmem>> -> memref<40x128xf32, #tpu.memory_space<vmem>>
      %dma_start3A_239 = tpu.memref_slice %arg7[%mul3A_235] : memref<10000xi32, #tpu.memory_space<vmem>> -> memref<40xi32, #tpu.memory_space<vmem>>
      %dma_start3A_240 = arith.constant 0 : i32
      %dma_start3A_241 = arith.constant 0 : i32
      %dma_start3A_242 = tpu.memref_slice %arg2[%dma_start3A_240, %dma_start3A_241] : memref<10000x128xf32, #tpu.memory_space<hbm>> -> memref<10000x128xf32, #tpu.memory_space<hbm>>
      tpu.enqueue_indirect_dma source(%dma_start3A_242 : memref<10000x128xf32, #tpu.memory_space<hbm>>) target(%dma_start3A_238 : memref<40x128xf32, #tpu.memory_space<vmem>>) offsets(%dma_start3A_239 : memref<40xi32, #tpu.memory_space<vmem>>) semaphore(%arg13 : memref<!tpu.dma_semaphore, #tpu.memory_space<semaphore_mem>>)
      %mul3A_243 = arith.constant 80 : i32
      %mul3A_244 = arith.muli %min3A_227, %mul3A_243 : i32
      %add3A_245 = arith.constant 40 : i32
      %add3A_246 = arith.addi %mul3A_244, %add3A_245 : i32
      %dma_start3A_247 = arith.constant 40 : i32
      %dma_start3A_248 = arith.constant 0 : i32
      %dma_start3A_249 = tpu.memref_slice %arg10[%dma_start3A_247, %dma_start3A_248] : memref<80x128xf32, #tpu.memory_space<vmem>> -> memref<40x128xf32, #tpu.memory_space<vmem>>
      %dma_start3A_250 = tpu.memref_slice %arg7[%add3A_246] : memref<10000xi32, #tpu.memory_space<vmem>> -> memref<40xi32, #tpu.memory_space<vmem>>
      %dma_start3A_251 = arith.constant 0 : i32
      %dma_start3A_252 = arith.constant 0 : i32
      %dma_start3A_253 = tpu.memref_slice %arg2[%dma_start3A_251, %dma_start3A_252] : memref<10000x128xf32, #tpu.memory_space<hbm>> -> memref<10000x128xf32, #tpu.memory_space<hbm>>
      tpu.enqueue_indirect_dma source(%dma_start3A_253 : memref<10000x128xf32, #tpu.memory_space<hbm>>) target(%dma_start3A_249 : memref<40x128xf32, #tpu.memory_space<vmem>>) offsets(%dma_start3A_250 : memref<40xi32, #tpu.memory_space<vmem>>) semaphore(%arg17 : memref<!tpu.dma_semaphore, #tpu.memory_space<semaphore_mem>>)
    }
    %scan3A_75 = arith.constant 62 : i32
    %dma_wait3A_76 = arith.constant 0 : i32
    %dma_wait3A_77 = arith.constant 0 : i32
    %dma_wait3A_78 = tpu.memref_slice %arg9[%dma_wait3A_76, %dma_wait3A_77] : memref<80x128xf32, #tpu.memory_space<vmem>> -> memref<40x128xf32, #tpu.memory_space<vmem>>
    %dma_wait3A_79 = arith.constant 9920 : i32
    %dma_wait3A_80 = tpu.memref_slice %arg7[%dma_wait3A_79] : memref<10000xi32, #tpu.memory_space<vmem>> -> memref<40xi32, #tpu.memory_space<vmem>>
    %dma_wait3A_81 = arith.constant 0 : i32
    %dma_wait3A_82 = arith.constant 0 : i32
    %dma_wait3A_83 = tpu.memref_slice %arg2[%dma_wait3A_81, %dma_wait3A_82] : memref<10000x128xf32, #tpu.memory_space<hbm>> -> memref<10000x128xf32, #tpu.memory_space<hbm>>
    tpu.wait_indirect_dma semaphore(%arg12 : memref<!tpu.dma_semaphore, #tpu.memory_space<semaphore_mem>>) src(%dma_wait3A_83 : memref<10000x128xf32, #tpu.memory_space<hbm>>) dst(%dma_wait3A_78 : memref<40x128xf32, #tpu.memory_space<vmem>>)
    %dma_wait3A_84 = arith.constant 40 : i32
    %dma_wait3A_85 = arith.constant 0 : i32
    %dma_wait3A_86 = tpu.memref_slice %arg9[%dma_wait3A_84, %dma_wait3A_85] : memref<80x128xf32, #tpu.memory_space<vmem>> -> memref<40x128xf32, #tpu.memory_space<vmem>>
    %dma_wait3A_87 = arith.constant 9920 : i32
    %dma_wait3A_88 = tpu.memref_slice %arg7[%dma_wait3A_87] : memref<10000xi32, #tpu.memory_space<vmem>> -> memref<40xi32, #tpu.memory_space<vmem>>
    %dma_wait3A_89 = arith.constant 0 : i32
    %dma_wait3A_90 = arith.constant 0 : i32
    %dma_wait3A_91 = tpu.memref_slice %arg2[%dma_wait3A_89, %dma_wait3A_90] : memref<10000x128xf32, #tpu.memory_space<hbm>> -> memref<10000x128xf32, #tpu.memory_space<hbm>>
    tpu.wait_indirect_dma semaphore(%arg16 : memref<!tpu.dma_semaphore, #tpu.memory_space<semaphore_mem>>) src(%dma_wait3A_91 : memref<10000x128xf32, #tpu.memory_space<hbm>>) dst(%dma_wait3A_86 : memref<40x128xf32, #tpu.memory_space<vmem>>)
    %run_scoped3A = arith.constant 124 : i32
    "tpu.region"() ({
      %run_scoped3A_144 = tpu.sem_alloc : memref<!tpu.dma_semaphore, #tpu.memory_space<semaphore_mem>>
      %dma_start3A_145 = arith.constant 0 : i32
      %dma_start3A_146 = tpu.memref_slice %arg8[%run_scoped3A, %dma_start3A_145] : memref<125x80xi32, #tpu.memory_space<vmem>> -> memref<1x80xi32, #tpu.memory_space<vmem>>
      %dma_start3A_147 = tpu.memref_squeeze %dma_start3A_146 : memref<1x80xi32, #tpu.memory_space<vmem>> -> memref<80xi32, #tpu.memory_space<vmem>>
      %dma_start3A_148 = arith.constant 0 : i32
      %dma_start3A_149 = arith.constant 0 : i32
      %dma_start3A_150 = tpu.memref_slice %arg11[%dma_start3A_148, %dma_start3A_149] : memref<10240x128xf32, #tpu.memory_space<vmem_shared>> -> memref<10240x128xf32, #tpu.memory_space<vmem_shared>>
      tpu.enqueue_indirect_dma source(%arg9 : memref<80x128xf32, #tpu.memory_space<vmem>>) target(%dma_start3A_150 : memref<10240x128xf32, #tpu.memory_space<vmem_shared>>) offsets(%dma_start3A_147 : memref<80xi32, #tpu.memory_space<vmem>>) semaphore(%run_scoped3A_144 : memref<!tpu.dma_semaphore, #tpu.memory_space<semaphore_mem>>) {add = true}
      %dma_wait3A_151 = arith.constant 0 : i32
      %dma_wait3A_152 = tpu.memref_slice %arg8[%run_scoped3A, %dma_wait3A_151] : memref<125x80xi32, #tpu.memory_space<vmem>> -> memref<1x80xi32, #tpu.memory_space<vmem>>
      %dma_wait3A_153 = tpu.memref_squeeze %dma_wait3A_152 : memref<1x80xi32, #tpu.memory_space<vmem>> -> memref<80xi32, #tpu.memory_space<vmem>>
      %dma_wait3A_154 = arith.constant 0 : i32
      %dma_wait3A_155 = arith.constant 0 : i32
      %dma_wait3A_156 = tpu.memref_slice %arg11[%dma_wait3A_154, %dma_wait3A_155] : memref<10240x128xf32, #tpu.memory_space<vmem_shared>> -> memref<10240x128xf32, #tpu.memory_space<vmem_shared>>
      tpu.wait_indirect_dma semaphore(%run_scoped3A_144 : memref<!tpu.dma_semaphore, #tpu.memory_space<semaphore_mem>>) src(%arg9 : memref<80x128xf32, #tpu.memory_space<vmem>>) dst(%dma_wait3A_156 : memref<10240x128xf32, #tpu.memory_space<vmem_shared>>)
      tpu.yield
    }) : () -> ()
    %dma_wait3A_92 = arith.constant 0 : i32
    %dma_wait3A_93 = arith.constant 0 : i32
    %dma_wait3A_94 = tpu.memref_slice %arg10[%dma_wait3A_92, %dma_wait3A_93] : memref<80x128xf32, #tpu.memory_space<vmem>> -> memref<40x128xf32, #tpu.memory_space<vmem>>
    %dma_wait3A_95 = arith.constant 9920 : i32
    %dma_wait3A_96 = tpu.memref_slice %arg7[%dma_wait3A_95] : memref<10000xi32, #tpu.memory_space<vmem>> -> memref<40xi32, #tpu.memory_space<vmem>>
    %dma_wait3A_97 = arith.constant 0 : i32
    %dma_wait3A_98 = arith.constant 0 : i32
    %dma_wait3A_99 = tpu.memref_slice %arg2[%dma_wait3A_97, %dma_wait3A_98] : memref<10000x128xf32, #tpu.memory_space<hbm>> -> memref<10000x128xf32, #tpu.memory_space<hbm>>
    tpu.wait_indirect_dma semaphore(%arg13 : memref<!tpu.dma_semaphore, #tpu.memory_space<semaphore_mem>>) src(%dma_wait3A_99 : memref<10000x128xf32, #tpu.memory_space<hbm>>) dst(%dma_wait3A_94 : memref<40x128xf32, #tpu.memory_space<vmem>>)
    %dma_wait3A_100 = arith.constant 40 : i32
    %dma_wait3A_101 = arith.constant 0 : i32
    %dma_wait3A_102 = tpu.memref_slice %arg10[%dma_wait3A_100, %dma_wait3A_101] : memref<80x128xf32, #tpu.memory_space<vmem>> -> memref<40x128xf32, #tpu.memory_space<vmem>>
    %dma_wait3A_103 = arith.constant 9920 : i32
    %dma_wait3A_104 = tpu.memref_slice %arg7[%dma_wait3A_103] : memref<10000xi32, #tpu.memory_space<vmem>> -> memref<40xi32, #tpu.memory_space<vmem>>
    %dma_wait3A_105 = arith.constant 0 : i32
    %dma_wait3A_106 = arith.constant 0 : i32
    %dma_wait3A_107 = tpu.memref_slice %arg2[%dma_wait3A_105, %dma_wait3A_106] : memref<10000x128xf32, #tpu.memory_space<hbm>> -> memref<10000x128xf32, #tpu.memory_space<hbm>>
    tpu.wait_indirect_dma semaphore(%arg17 : memref<!tpu.dma_semaphore, #tpu.memory_space<semaphore_mem>>) src(%dma_wait3A_107 : memref<10000x128xf32, #tpu.memory_space<hbm>>) dst(%dma_wait3A_102 : memref<40x128xf32, #tpu.memory_space<vmem>>)
    %barrier3A_108 = arith.constant 0 : index
    tpu.barrier barrier_id(%barrier3A_108)
    %add3A = arith.constant 80 : i32
    %add3A_109 = arith.addi %mul3A_0, %add3A : i32
    "tpu.region"() ({
      %run_scoped3A_144 = tpu.sem_alloc : memref<!tpu.dma_semaphore, #tpu.memory_space<semaphore_mem>>
      %dma_start3A_145 = arith.constant 0 : i32
      %dma_start3A_146 = tpu.memref_slice %arg11[%mul3A_0, %dma_start3A_145] : memref<10240x128xf32, #tpu.memory_space<vmem_shared>> -> memref<80x128xf32, #tpu.memory_space<vmem_shared>>
      %dma_start3A_147 = arith.constant 0 : i32
      %dma_start3A_148 = tpu.memref_slice %arg11[%mul3A_0, %dma_start3A_147] : memref<10240x128xf32, #tpu.memory_space<vmem_shared>> -> memref<80x128xf32, #tpu.memory_space<vmem_shared>>
      tpu.enqueue_dma source(%dma_start3A_148 : memref<80x128xf32, #tpu.memory_space<vmem_shared>>) target(%arg9 : memref<80x128xf32, #tpu.memory_space<vmem>>) target_semaphore(%run_scoped3A_144 : memref<!tpu.dma_semaphore, #tpu.memory_space<semaphore_mem>>)
      %dma_wait3A_149 = arith.constant 0 : i32
      %dma_wait3A_150 = tpu.memref_slice %arg11[%mul3A_0, %dma_wait3A_149] : memref<10240x128xf32, #tpu.memory_space<vmem_shared>> -> memref<80x128xf32, #tpu.memory_space<vmem_shared>>
      %dma_wait3A_151 = arith.constant 0 : i32
      %dma_wait3A_152 = tpu.memref_slice %arg11[%mul3A_0, %dma_wait3A_151] : memref<10240x128xf32, #tpu.memory_space<vmem_shared>> -> memref<80x128xf32, #tpu.memory_space<vmem_shared>>
      tpu.wait_dma2 semaphore(%run_scoped3A_144 : memref<!tpu.dma_semaphore, #tpu.memory_space<semaphore_mem>>) src(%dma_wait3A_152 : memref<80x128xf32, #tpu.memory_space<vmem_shared>>) dst(%arg9 : memref<80x128xf32, #tpu.memory_space<vmem>>)
      tpu.yield
    }) : () -> ()
    %mul3A_110 = arith.constant 10240 : i32
    %mul3A_111 = arith.muli %arg0, %mul3A_110 : i32
    %add3A_112 = arith.addi %mul3A_111, %mul3A_0 : i32
    %dma_start3A_113 = arith.constant 0 : i32
    %dma_start3A_114 = tpu.memref_slice %arg6[%add3A_112, %dma_start3A_113] : memref<20480x128xf32, #tpu.memory_space<hbm>> -> memref<80x128xf32, #tpu.memory_space<hbm>>
    %dma_start3A_115 = arith.constant 0 : i32
    %dma_start3A_116 = tpu.memref_slice %arg6[%add3A_112, %dma_start3A_115] : memref<20480x128xf32, #tpu.memory_space<hbm>> -> memref<80x128xf32, #tpu.memory_space<hbm>>
    tpu.enqueue_dma source(%arg9 : memref<80x128xf32, #tpu.memory_space<vmem>>) target(%dma_start3A_116 : memref<80x128xf32, #tpu.memory_space<hbm>>) target_semaphore(%arg14 : memref<!tpu.dma_semaphore, #tpu.memory_space<semaphore_mem>>)
    "tpu.region"() ({
      %run_scoped3A_144 = tpu.sem_alloc : memref<!tpu.dma_semaphore, #tpu.memory_space<semaphore_mem>>
      %dma_start3A_145 = arith.constant 0 : i32
      %dma_start3A_146 = tpu.memref_slice %arg11[%add3A_109, %dma_start3A_145] : memref<10240x128xf32, #tpu.memory_space<vmem_shared>> -> memref<80x128xf32, #tpu.memory_space<vmem_shared>>
      %dma_start3A_147 = arith.constant 0 : i32
      %dma_start3A_148 = tpu.memref_slice %arg11[%add3A_109, %dma_start3A_147] : memref<10240x128xf32, #tpu.memory_space<vmem_shared>> -> memref<80x128xf32, #tpu.memory_space<vmem_shared>>
      tpu.enqueue_dma source(%dma_start3A_148 : memref<80x128xf32, #tpu.memory_space<vmem_shared>>) target(%arg10 : memref<80x128xf32, #tpu.memory_space<vmem>>) target_semaphore(%run_scoped3A_144 : memref<!tpu.dma_semaphore, #tpu.memory_space<semaphore_mem>>)
      %dma_wait3A_149 = arith.constant 0 : i32
      %dma_wait3A_150 = tpu.memref_slice %arg11[%add3A_109, %dma_wait3A_149] : memref<10240x128xf32, #tpu.memory_space<vmem_shared>> -> memref<80x128xf32, #tpu.memory_space<vmem_shared>>
      %dma_wait3A_151 = arith.constant 0 : i32
      %dma_wait3A_152 = tpu.memref_slice %arg11[%add3A_109, %dma_wait3A_151] : memref<10240x128xf32, #tpu.memory_space<vmem_shared>> -> memref<80x128xf32, #tpu.memory_space<vmem_shared>>
      tpu.wait_dma2 semaphore(%run_scoped3A_144 : memref<!tpu.dma_semaphore, #tpu.memory_space<semaphore_mem>>) src(%dma_wait3A_152 : memref<80x128xf32, #tpu.memory_space<vmem_shared>>) dst(%arg10 : memref<80x128xf32, #tpu.memory_space<vmem>>)
      tpu.yield
    }) : () -> ()
    %mul3A_117 = arith.constant 10240 : i32
    %mul3A_118 = arith.muli %arg0, %mul3A_117 : i32
    %add3A_119 = arith.addi %mul3A_118, %add3A_109 : i32
    %dma_start3A_120 = arith.constant 0 : i32
    %dma_start3A_121 = tpu.memref_slice %arg6[%add3A_119, %dma_start3A_120] : memref<20480x128xf32, #tpu.memory_space<hbm>> -> memref<80x128xf32, #tpu.memory_space<hbm>>
    %dma_start3A_122 = arith.constant 0 : i32
    %dma_start3A_123 = tpu.memref_slice %arg6[%add3A_119, %dma_start3A_122] : memref<20480x128xf32, #tpu.memory_space<hbm>> -> memref<80x128xf32, #tpu.memory_space<hbm>>
    tpu.enqueue_dma source(%arg10 : memref<80x128xf32, #tpu.memory_space<vmem>>) target(%dma_start3A_123 : memref<80x128xf32, #tpu.memory_space<hbm>>) target_semaphore(%arg15 : memref<!tpu.dma_semaphore, #tpu.memory_space<semaphore_mem>>)
    %scan3A_124 = arith.constant 0 : i32
    %scan3A_125 = arith.constant 0 : i32
    %scan3A_126 = arith.constant 3 : i32
    %scan3A_127 = arith.addi %scan3A_125, %scan3A_126 : i32
    %scan3A_128 = arith.constant 1 : i32
    scf.for %scan3A_144 = %scan3A_125 to %scan3A_127 step %scan3A_128  : i32 {
      %mul3A_145 = arith.constant 2 : i32
      %mul3A_146 = arith.muli %mul3A_145, %scan3A_144 : i32
      %add3A_147 = arith.constant 2 : i32
      %add3A_148 = arith.addi %mul3A_146, %add3A_147 : i32
      %mul3A_149 = arith.constant 80 : i32
      %mul3A_150 = arith.muli %add3A_148, %mul3A_149 : i32
      %add3A_151 = arith.addi %mul3A_0, %mul3A_150 : i32
      %mul3A_152 = arith.constant 2 : i32
      %mul3A_153 = arith.muli %mul3A_152, %scan3A_144 : i32
      %add3A_154 = arith.constant 3 : i32
      %add3A_155 = arith.addi %mul3A_153, %add3A_154 : i32
      %mul3A_156 = arith.constant 80 : i32
      %mul3A_157 = arith.muli %add3A_155, %mul3A_156 : i32
      %add3A_158 = arith.addi %mul3A_0, %mul3A_157 : i32
      %mul3A_159 = arith.constant 10240 : i32
      %mul3A_160 = arith.muli %arg0, %mul3A_159 : i32
      %add3A_161 = arith.addi %mul3A_160, %add3A_151 : i32
      %dma_wait3A_162 = arith.constant 0 : i32
      %dma_wait3A_163 = tpu.memref_slice %arg6[%add3A_161, %dma_wait3A_162] : memref<20480x128xf32, #tpu.memory_space<hbm>> -> memref<80x128xf32, #tpu.memory_space<hbm>>
      %dma_wait3A_164 = arith.constant 0 : i32
      %dma_wait3A_165 = tpu.memref_slice %arg6[%add3A_161, %dma_wait3A_164] : memref<20480x128xf32, #tpu.memory_space<hbm>> -> memref<80x128xf32, #tpu.memory_space<hbm>>
      tpu.wait_dma2 semaphore(%arg14 : memref<!tpu.dma_semaphore, #tpu.memory_space<semaphore_mem>>) src(%arg9 : memref<80x128xf32, #tpu.memory_space<vmem>>) dst(%dma_wait3A_165 : memref<80x128xf32, #tpu.memory_space<hbm>>)
      "tpu.region"() ({
        %run_scoped3A_187 = tpu.sem_alloc : memref<!tpu.dma_semaphore, #tpu.memory_space<semaphore_mem>>
        %dma_start3A_188 = arith.constant 0 : i32
        %dma_start3A_189 = tpu.memref_slice %arg11[%add3A_151, %dma_start3A_188] : memref<10240x128xf32, #tpu.memory_space<vmem_shared>> -> memref<80x128xf32, #tpu.memory_space<vmem_shared>>
        %dma_start3A_190 = arith.constant 0 : i32
        %dma_start3A_191 = tpu.memref_slice %arg11[%add3A_151, %dma_start3A_190] : memref<10240x128xf32, #tpu.memory_space<vmem_shared>> -> memref<80x128xf32, #tpu.memory_space<vmem_shared>>
        tpu.enqueue_dma source(%dma_start3A_191 : memref<80x128xf32, #tpu.memory_space<vmem_shared>>) target(%arg9 : memref<80x128xf32, #tpu.memory_space<vmem>>) target_semaphore(%run_scoped3A_187 : memref<!tpu.dma_semaphore, #tpu.memory_space<semaphore_mem>>)
        %dma_wait3A_192 = arith.constant 0 : i32
        %dma_wait3A_193 = tpu.memref_slice %arg11[%add3A_151, %dma_wait3A_192] : memref<10240x128xf32, #tpu.memory_space<vmem_shared>> -> memref<80x128xf32, #tpu.memory_space<vmem_shared>>
        %dma_wait3A_194 = arith.constant 0 : i32
        %dma_wait3A_195 = tpu.memref_slice %arg11[%add3A_151, %dma_wait3A_194] : memref<10240x128xf32, #tpu.memory_space<vmem_shared>> -> memref<80x128xf32, #tpu.memory_space<vmem_shared>>
        tpu.wait_dma2 semaphore(%run_scoped3A_187 : memref<!tpu.dma_semaphore, #tpu.memory_space<semaphore_mem>>) src(%dma_wait3A_195 : memref<80x128xf32, #tpu.memory_space<vmem_shared>>) dst(%arg9 : memref<80x128xf32, #tpu.memory_space<vmem>>)
        tpu.yield
      }) : () -> ()
      %mul3A_166 = arith.constant 10240 : i32
      %mul3A_167 = arith.muli %arg0, %mul3A_166 : i32
      %add3A_168 = arith.addi %mul3A_167, %add3A_151 : i32
      %dma_start3A_169 = arith.constant 0 : i32
      %dma_start3A_170 = tpu.memref_slice %arg6[%add3A_168, %dma_start3A_169] : memref<20480x128xf32, #tpu.memory_space<hbm>> -> memref<80x128xf32, #tpu.memory_space<hbm>>
      %dma_start3A_171 = arith.constant 0 : i32
      %dma_start3A_172 = tpu.memref_slice %arg6[%add3A_168, %dma_start3A_171] : memref<20480x128xf32, #tpu.memory_space<hbm>> -> memref<80x128xf32, #tpu.memory_space<hbm>>
      tpu.enqueue_dma source(%arg9 : memref<80x128xf32, #tpu.memory_space<vmem>>) target(%dma_start3A_172 : memref<80x128xf32, #tpu.memory_space<hbm>>) target_semaphore(%arg14 : memref<!tpu.dma_semaphore, #tpu.memory_space<semaphore_mem>>)
      %mul3A_173 = arith.constant 10240 : i32
      %mul3A_174 = arith.muli %arg0, %mul3A_173 : i32
      %add3A_175 = arith.addi %mul3A_174, %add3A_158 : i32
      %dma_wait3A_176 = arith.constant 0 : i32
      %dma_wait3A_177 = tpu.memref_slice %arg6[%add3A_175, %dma_wait3A_176] : memref<20480x128xf32, #tpu.memory_space<hbm>> -> memref<80x128xf32, #tpu.memory_space<hbm>>
      %dma_wait3A_178 = arith.constant 0 : i32
      %dma_wait3A_179 = tpu.memref_slice %arg6[%add3A_175, %dma_wait3A_178] : memref<20480x128xf32, #tpu.memory_space<hbm>> -> memref<80x128xf32, #tpu.memory_space<hbm>>
      tpu.wait_dma2 semaphore(%arg15 : memref<!tpu.dma_semaphore, #tpu.memory_space<semaphore_mem>>) src(%arg10 : memref<80x128xf32, #tpu.memory_space<vmem>>) dst(%dma_wait3A_179 : memref<80x128xf32, #tpu.memory_space<hbm>>)
      "tpu.region"() ({
        %run_scoped3A_187 = tpu.sem_alloc : memref<!tpu.dma_semaphore, #tpu.memory_space<semaphore_mem>>
        %dma_start3A_188 = arith.constant 0 : i32
        %dma_start3A_189 = tpu.memref_slice %arg11[%add3A_158, %dma_start3A_188] : memref<10240x128xf32, #tpu.memory_space<vmem_shared>> -> memref<80x128xf32, #tpu.memory_space<vmem_shared>>
        %dma_start3A_190 = arith.constant 0 : i32
        %dma_start3A_191 = tpu.memref_slice %arg11[%add3A_158, %dma_start3A_190] : memref<10240x128xf32, #tpu.memory_space<vmem_shared>> -> memref<80x128xf32, #tpu.memory_space<vmem_shared>>
        tpu.enqueue_dma source(%dma_start3A_191 : memref<80x128xf32, #tpu.memory_space<vmem_shared>>) target(%arg10 : memref<80x128xf32, #tpu.memory_space<vmem>>) target_semaphore(%run_scoped3A_187 : memref<!tpu.dma_semaphore, #tpu.memory_space<semaphore_mem>>)
        %dma_wait3A_192 = arith.constant 0 : i32
        %dma_wait3A_193 = tpu.memref_slice %arg11[%add3A_158, %dma_wait3A_192] : memref<10240x128xf32, #tpu.memory_space<vmem_shared>> -> memref<80x128xf32, #tpu.memory_space<vmem_shared>>
        %dma_wait3A_194 = arith.constant 0 : i32
        %dma_wait3A_195 = tpu.memref_slice %arg11[%add3A_158, %dma_wait3A_194] : memref<10240x128xf32, #tpu.memory_space<vmem_shared>> -> memref<80x128xf32, #tpu.memory_space<vmem_shared>>
        tpu.wait_dma2 semaphore(%run_scoped3A_187 : memref<!tpu.dma_semaphore, #tpu.memory_space<semaphore_mem>>) src(%dma_wait3A_195 : memref<80x128xf32, #tpu.memory_space<vmem_shared>>) dst(%arg10 : memref<80x128xf32, #tpu.memory_space<vmem>>)
        tpu.yield
      }) : () -> ()
      %mul3A_180 = arith.constant 10240 : i32
      %mul3A_181 = arith.muli %arg0, %mul3A_180 : i32
      %add3A_182 = arith.addi %mul3A_181, %add3A_158 : i32
      %dma_start3A_183 = arith.constant 0 : i32
      %dma_start3A_184 = tpu.memref_slice %arg6[%add3A_182, %dma_start3A_183] : memref<20480x128xf32, #tpu.memory_space<hbm>> -> memref<80x128xf32, #tpu.memory_space<hbm>>
      %dma_start3A_185 = arith.constant 0 : i32
      %dma_start3A_186 = tpu.memref_slice %arg6[%add3A_182, %dma_start3A_185] : memref<20480x128xf32, #tpu.memory_space<hbm>> -> memref<80x128xf32, #tpu.memory_space<hbm>>
      tpu.enqueue_dma source(%arg10 : memref<80x128xf32, #tpu.memory_space<vmem>>) target(%dma_start3A_186 : memref<80x128xf32, #tpu.memory_space<hbm>>) target_semaphore(%arg15 : memref<!tpu.dma_semaphore, #tpu.memory_space<semaphore_mem>>)
    }
    %scan3A_129 = arith.constant 3 : i32
    %mul3A_130 = arith.constant 10240 : i32
    %mul3A_131 = arith.muli %arg0, %mul3A_130 : i32
    %add3A_132 = arith.addi %mul3A_131, %mul3A_0 : i32
    %dma_wait3A_133 = arith.constant 0 : i32
    %dma_wait3A_134 = tpu.memref_slice %arg6[%add3A_132, %dma_wait3A_133] : memref<20480x128xf32, #tpu.memory_space<hbm>> -> memref<80x128xf32, #tpu.memory_space<hbm>>
    %dma_wait3A_135 = arith.constant 0 : i32
    %dma_wait3A_136 = tpu.memref_slice %arg6[%add3A_132, %dma_wait3A_135] : memref<20480x128xf32, #tpu.memory_space<hbm>> -> memref<80x128xf32, #tpu.memory_space<hbm>>
    tpu.wait_dma2 semaphore(%arg14 : memref<!tpu.dma_semaphore, #tpu.memory_space<semaphore_mem>>) src(%arg9 : memref<80x128xf32, #tpu.memory_space<vmem>>) dst(%dma_wait3A_136 : memref<80x128xf32, #tpu.memory_space<hbm>>)
    %mul3A_137 = arith.constant 10240 : i32
    %mul3A_138 = arith.muli %arg0, %mul3A_137 : i32
    %add3A_139 = arith.addi %mul3A_138, %mul3A_0 : i32
    %dma_wait3A_140 = arith.constant 0 : i32
    %dma_wait3A_141 = tpu.memref_slice %arg6[%add3A_139, %dma_wait3A_140] : memref<20480x128xf32, #tpu.memory_space<hbm>> -> memref<80x128xf32, #tpu.memory_space<hbm>>
    %dma_wait3A_142 = arith.constant 0 : i32
    %dma_wait3A_143 = tpu.memref_slice %arg6[%add3A_139, %dma_wait3A_142] : memref<20480x128xf32, #tpu.memory_space<hbm>> -> memref<80x128xf32, #tpu.memory_space<hbm>>
    tpu.wait_dma2 semaphore(%arg15 : memref<!tpu.dma_semaphore, #tpu.memory_space<semaphore_mem>>) src(%arg10 : memref<80x128xf32, #tpu.memory_space<vmem>>) dst(%dma_wait3A_143 : memref<80x128xf32, #tpu.memory_space<hbm>>)
    return
  }
}

</mosaic_0001>

<sc_bundles>
// kernel: _sc_segment_sum.3.cloned.1.call-start
scs
__scs_entry_jumppad:
0x0: {  	(pc) =	sbr.rel $0x88, $3  }
0x1: {  	(tag) =	ssettag $0x0;
	lr =	simm.s32 $0x1  }
0x2: {  	[smem:$0x3F9D] =	sst lr;
	_ =	strace $0xD0000000  }
0x3: {  	_ = 	snop  }
0x4: {  	_ = 	snop  }
0x5: {  	_ = 	snop  }
0x6: {  	_ = 	snop  }
0x7: {  	_ = 	snop  }
__scs_overlays_trampoline_lowered:
0x8: {  	[smem:$0x3FAC] =	sst s0  }
0x9: {  	[smem:$0x3FAD] =	sst s1  }
0xa: {  	[smem:$0x3FAE] =	sst s2  }
0xb: {  	[smem:$0x3FAF] =	sst s3  }
0xc: {  	[smem:$0x3FB0] =	sst s4  }
0xd: {  	[smem:$0x3FB1] =	sst s5  }
0xe: {  	[smem:$0x3FB2] =	sst s6  }
0xf: {  	[smem:$0x3FB3] =	sst s7  }
0x10: {  	[smem:$0x3FB4] =	sst s8  }
0x11: {  	[smem:$0x3FB5] =	sst s9;
	s0 =	simm.s32 @!p0 $0x0  }
0x12: {  	s1 =	sld [smem:$0x3F9B];
	s0 =	simm.s32 @p0 $0x1  }
0x13: {  	[smem:$0x3FB6] =	sst s0;
	s0 =	simm.s32 @!p1 $0x0  }
0x14: {  	s2 =	sld [smem:$0x3F9A];
	s0 =	simm.s32 @p1 $0x1  }
0x15: {  	[smem:$0x3FB7] =	sst s0;
	s0 =	simm.s32 @!p2 $0x0  }
0x16: {  	s3 =	sld [smem:$0x3FDB];
	s0 =	simm.s32 @p2 $0x1  }
0x17: {  	s4 =	simm.s32 $0x1BF5;
	[smem:$0x3FB9] =	sst s0  }
0x18: {  	s0 =	sld [smem:$0x3F9C];
	_ =	swait.ge [sflag:s4], $0x0  }
0x19: {  	s7 =	sld [smem:$0x3F9D]  }
0x1a: {  	s8 =	sadd.s32 $0xFFFFE003, lr  }
0x1b: {  	s9 =	sadd.s32 $0xFFFFFEF7, lr;
	s5 =	simm.s32 $0xFFFFFFFF;
	p2 =	slt.u32 s8, $0xFFFFF086  }
0x1c: {  	p1 =	slt.u32 s9, $0xF7A;
	s5 =	simm.s32 @!p2 $0x0  }
0x1d: {  	s5 =	simm.s32 @p1 $0x1;
	p0 =	seq.s32 s7, s2  }
0x1e: {  	s7 =	smul.u32 @!p0 $0xF7A, s2;
	p2 =	seq.s32 @!p0 s5, $0x0  }
0x1f: {  	s9 =	smul.u32 $0xF7A, s1;
	s8 =	simm.s32 @!p0 $0x1BF5;
	p2 =	por !p2, p0  }
0x20: {  	[sflag:s8] =	ssyncset.s32 @!p0 $0xFFFFF086;
	s6 =	sadd.s32 @!p0 s3, s7;
	s7 =	simm.s32 @!p0 $0x108  }
0x21: {  	s3 =	sadd.s32 s3, s9;
	s6 =	sadd.s32 @!p0 $0x88, s6;
	s7 =	simm.s32 @p2 $0x1082  }
0x22: {  	[simem:s7], [sflag:s8] =	dma.local @!p0 [hbm:s6], $0xF7A  }
0x23: {  	s9 =	sor.u32 $0xD0000000, s2;
	s6 =	simm.s32 $0x108;
	_ =	swait.ge @!p0 [sflag:s8], $0x0  }
0x24: {  	s3 =	sadd.s32 $0x88, s3;
	s6 =	simm.s32 @!p1 $0x1082;
	[sflag:s4] =	ssyncset.s32 $0xFFFFF086  }
0x25: {  	[simem:s6], [sflag:s4] =	dma.local [hbm:s3], $0xF7A  }
0x26: {  	[smem:$0x3F9D] =	sst s1;
	(tag) =	ssettag s2;
	_ =	strace s9  }
0x27: {  	s1 =	sld [smem:$0x3FAD]  }
0x28: {  	s2 =	sld [smem:$0x3FAE]  }
0x29: {  	s4 =	sld [smem:$0x3FB0]  }
0x2a: {  	p0 =	seq.s32 s5, $0x0;
	s5 =	sld [smem:$0x3FB1]  }
0x2b: {  	s6 =	sld [smem:$0x3FB2]  }
0x2c: {  	s7 =	sld [smem:$0x3FB3]  }
0x2d: {  	s3 =	simm.s32 $0x108;
	s8 =	sld [smem:$0x3FB4]  }
0x2e: {  	s3 =	simm.s32 @!p0 $0x1082;
	s9 =	sld [smem:$0x3FB5]  }
0x2f: {  	lr =	sadd.s32 s0, s3;
	s0 =	sld [smem:$0x3FAC]  }
0x30: {  	s3 =	sld [smem:$0x3FAF]  }
0x31: {  	[smem:$0x3FB8] =	sst s10  }
0x32: {  	s10 =	sld [smem:$0x3FB6];
	_ =	sdelay $0x3  }
0x33: {  	p0 =	seq.s32 s10, $0x1;
	s10 =	sld [smem:$0x3FB8];
	_ =	sdelay $0x3  }
0x34: {  	[smem:$0x3FB8] =	sst s10  }
0x35: {  	s10 =	sld [smem:$0x3FB7];
	_ =	sdelay $0x3  }
0x36: {  	p1 =	seq.s32 s10, $0x1;
	s10 =	sld [smem:$0x3FB8];
	_ =	sdelay $0x3  }
0x37: {  	[smem:$0x3FB8] =	sst s10  }
0x38: {  	s10 =	sld [smem:$0x3FB9]  }
0x39: {  	_ = 	snop;
	(pc) =	sbr.ind lr, $3  }
0x3a: {  	_ = 	snop  }
0x3b: {  	_ = 	snop  }
0x3c: {  	p2 =	seq.s32 s10, $0x1;
	s10 =	sld [smem:$0x3FB8]  }
0x3d: {  	_ =	shalt  }
0x3e: {  	_ =	shalt  }
0x3f: {  	_ =	shalt  }
0x40: {  	_ =	shalt  }
0x41: {  	_ =	shalt  }
0x42: {  	_ =	shalt  }
0x43: {  	_ =	shalt  }
0x44: {  	_ =	shalt  }
0x45: {  	_ =	shalt  }
0x46: {  	_ =	shalt  }
0x47: {  	_ =	shalt  }
0x48: {  	_ =	shalt  }
0x49: {  	_ =	shalt  }
0x4a: {  	_ =	shalt  }
0x4b: {  	_ =	shalt  }
0x4c: {  	_ =	shalt  }
0x4d: {  	_ =	shalt  }
0x4e: {  	_ =	shalt  }
0x4f: {  	_ =	shalt  }
0x50: {  	_ =	shalt  }
0x51: {  	_ =	shalt  }
0x52: {  	_ =	shalt  }
0x53: {  	_ =	shalt  }
0x54: {  	_ =	shalt  }
0x55: {  	_ =	shalt  }
0x56: {  	_ =	shalt  }
0x57: {  	_ =	shalt  }
0x58: {  	_ =	shalt  }
0x59: {  	_ =	shalt  }
0x5a: {  	_ =	shalt  }
0x5b: {  	_ =	shalt  }
0x5c: {  	_ =	shalt  }
0x5d: {  	_ =	shalt  }
0x5e: {  	_ =	shalt  }
0x5f: {  	_ =	shalt  }
0x60: {  	_ =	shalt  }
0x61: {  	_ =	shalt  }
0x62: {  	_ =	shalt  }
0x63: {  	_ =	shalt  }
0x64: {  	_ =	shalt  }
0x65: {  	_ =	shalt  }
0x66: {  	_ =	shalt  }
0x67: {  	_ =	shalt  }
0x68: {  	_ =	shalt  }
0x69: {  	_ =	shalt  }
0x6a: {  	_ =	shalt  }
0x6b: {  	_ =	shalt  }
0x6c: {  	_ =	shalt  }
0x6d: {  	_ =	shalt  }
0x6e: {  	_ =	shalt  }
0x6f: {  	_ =	shalt  }
0x70: {  	_ =	shalt  }
0x71: {  	_ =	shalt  }
0x72: {  	_ =	shalt  }
0x73: {  	_ =	shalt  }
0x74: {  	_ =	shalt  }
0x75: {  	_ =	shalt  }
0x76: {  	_ =	shalt  }
0x77: {  	_ =	shalt  }
0x78: {  	_ =	shalt  }
0x79: {  	_ =	shalt  }
0x7a: {  	_ =	shalt  }
0x7b: {  	_ =	shalt  }
0x7c: {  	_ =	shalt  }
0x7d: {  	_ =	shalt  }
0x7e: {  	_ =	shalt  }
0x7f: {  	_ =	shalt  }
0x80: {  	_ =	shalt  }
0x81: {  	_ =	shalt  }
0x82: {  	_ =	shalt  }
0x83: {  	_ =	shalt  }
0x84: {  	_ =	shalt  }
0x85: {  	_ =	shalt  }
0x86: {  	_ =	shalt  }
0x87: {  	_ =	shalt  }
.Lfunc_end0:
.L_simem_size_0:
called_computation_lowered:
.L_overlay_start_0:
0x88: {  	s2 =	sld [smem:$0x3FD9]  }
0x89: {  	s3 =	sld [smem:$0x3FFE];
	_ =	sdelay $0x1  }
0x8a: {  	s1 =	srdreg.scid  }
0x8b: {  	s0 =	sand.u32 $0x1, s1  }
0x8c: {  	s17 =	sshll.u32 s0, $0xA;
	s2 =	sadd.s32 s3, s2  }
0x8d: {  	s2 =	sadd.s32 s2, s17  }
0x8e: {  	[smem:$0x3FC4] =	sst s2  }
0x8f: {  	_ = 	snop  }
0x90: {  	s2 =	sld [smem:$0x3FC9]  }
0x91: {  	s18 =	sld [smem:$0x3FC8]  }
0x92: {  	s4 =	sld [smem:$0x3FC6]  }
0x93: {  	s5 =	sld [smem:$0x3FD0];
	(tm) =	ssettm $0x1  }
0x94: {  	s6 =	sld [smem:$0x3FFB];
	_ =	sdelay $0x3  }
0x95: {  	_ =	strace s6  }
0x96: {  	s6 =	sld [smem:$0x3FFC];
	_ =	sdelay $0x3  }
0x97: {  	_ =	strace s6  }
0x98: {  	s6 =	sld [smem:$0x3FFD];
	_ =	sdelay $0x3  }
0x99: {  	_ =	strace s6  }
0x9a: {  	_ =	strace $0x8FFFFFFF  }
0x9b: {  	s19 =	sld [smem:$0x3FDB];
	_ =	sdelay $0x1  }
0x9c: {  	s7 =	simm.s32 $_scs_section_size  }
0x9d: {  	s8 =	simm.s32 $_size__tile_overlayer_lowered;
	s9 =	simm.s32 $_tile_overlayer_lowered  }
0x9e: {  	s22 =	simm.s32 $0x1BFF;
	s21 =	sshll.u32 s9, $0x1;
	s6 =	sadd.s32 s7, s19  }
0x9f: {  	s10 =	simm.s32 $0x0;
	s20 =	sshll.u32 s8, $0x1;
	s8 =	sadd.s32 s21, s6  }
0xa0: {  	[timem:s10], [sflag:s22] =	dma.local [hbm:s8], s20  }
0xa1: {  	_ =	swait.ge [sflag:s22], s20  }
0xa2: {  	s7 =	ssub.s32 $0x0, s20;
	[sflag:s22] =	ssyncset.done $0x0  }
0xa3: {  	[sflag:s22] =	ssyncadd.s32 s7;
	_ =	sdelay $0x1  }
0xa4: {  	s23 =	simm.s32 $0x1B8B  }
0xa5: {  	_ =	swait.ge [sflag:s23], $0x1  }
0xa6: {  	[sflag:s23] =	ssyncset.done $0x0  }
0xa7: {  	s25 =	simm.s32 $0x1B8E;
	s24 =	sld [smem:$0x3FFE];
	[sflag:s23] =	ssyncadd.s32 $0xFFFFFFFF  }
0xa8: {  	s26 =	simm.s32 $execute0_lowered;
	[smem:$0x3FD2] =	sst s25  }
0xa9: {  	s8 =	sshll.u32 s26, $0x1;
	_ =	strace $0x80000046;
	[dreg:$0x1] =	wrdreg $0xFFFFFFFF  }
0xaa: {  	s28 =	simm.s32 $_size_execute0_lowered;
	s6 =	sadd.s32 s6, s8;
	[dreg:$0x0] =	wrdreg $0x0  }
0xab: {  	s8 =	sshll.u32 s28, $0x1;
	[dreg:$0x2] =	wrdreg s6  }
0xac: {  	[dreg:$0x3] =	wrdreg s8  }
0xad: {  	[dreg:$0x4] =	wrdreg $0xC0  }
0xae: {  	_ =	task [dreg:s10], $0x5FFFF  }
0xaf: {  	[dreg:$0x1] =	wrdreg $0xFFFFFFFF  }
0xb0: {  	[dreg:$0x0] =	wrdreg $0x60  }
0xb1: {  	[dreg:$0x2] =	wrdreg s2  }
0xb2: {  	[dreg:$0x3] =	wrdreg s18  }
0xb3: {  	[dreg:$0x4] =	wrdreg s24  }
0xb4: {  	[dreg:$0x5] =	wrdreg s4  }
0xb5: {  	[dreg:$0x6] =	wrdreg s5  }
0xb6: {  	[dreg:$0x7] =	wrdreg $0xB7800  }
0xb7: {  	[dreg:$0x8] =	wrdreg $0x9  }
0xb8: {  	_ =	task.clear_ibuf [dreg:s10], $0x9FFFF;
	_ =	strace $0x90000046  }
0xb9: {  	s29 =	simm.s32 $0x9;
	_ =	strace $0x80000048  }
0xba: {  	_ =	swait.ge [sflag:s29], $0x1  }
0xbb: {  	[sflag:s29] =	ssyncadd.s32 $0xFFFFFFFF  }
0xbc: {  	_ =	strace $0x90000048  }
0xbd: {  	_ =	sfence  }
0xbe: {  	s30 =	sld [smem:$0x0];
	_ =	sdelay $0x2  }
0xbf: {  	s31 =	sshll.u32 s1, $0xD;
	s1 =	sshrl.u32 s1, $0x2  }
0xc0: {  	s3 =	sand.u32 $0x4000, s31;
	s1 =	sadd.s32 s1, s30  }
0xc1: {  	s0 =	sor.u32 s3, s0;
	s1 =	sshll.u32 s1, $0x11  }
0xc2: {  	s0 =	sor.u32 s1, s0  }
0xc3: {  	s0 =	sadd.s32 $0x8F2B, s0  }
0xc4: {  	[sflag:s0] =	ssyncadd.remote.s32 $0x1  }
0xc5: {  	_ =	sfence.sel $0xFFFF  }
0xc6: {  	[dreg:$0x0] =	wrdreg $0xFFFFFFFF;
	(pc) =	sbr.abs _section_cstart, $3  }
0xc7: {  	[dreg:$0x1] =	wrdreg $0xFFFFFFFF  }
0xc8: {  	_ =	task.clear_ibuf [dreg:s10], $0x2FFFF;
	_ =	strace $0x9FFFFFFF  }
0xc9: {  	(tm) =	ssettm $0x7FFFFFFF  }
tec
execute0_lowered:
.L_overlay_start_1:
0x0: {  	(tag) =	ssettag $0x1  }
0x1: {  	s1 =	rddreg [dreg:$0x0]  }
0x2: {  	s2 =	rddreg [dreg:$0x1]  }
0x3: {  	s4 =	rddreg [dreg:$0x2]  }
0x4: {  	s0 =	rddreg [dreg:$0x4]  }
0x5: {  	s3 =	rddreg [dreg:$0x5];
	s5 =	simm.s32 $0x0  }
0x6: {  	s6 =	srdreg.scid;
	s13 =	stileid.u32;
	s28 =	simm.s32 $0x7  }
0x7: {  	s29 =	simm.s32 $0x28;
	s30 =	simm.s32 $0x7B80;
	s31 =	simm.s32 $0x50  }
0x8: {  	[smem:$0x7FF] =	sst s5;
	s6 =	sand.u32 $0x1, s6;
	s12 =	smul.u32 $0x280, s13  }
0x9: {  	s8 =	sshrl.u32 s13, $0x3;
	s9 =	sshll.u32 s13, $0xB;
	s19 =	smul.u32 $0x50000, s13  }
0xa: {  	s11 =	sshll.u32 s13, $0x7;
	_ =	strace $0x80000047;
	s7 =	smul.u32 $0x27800, s6  }
0xb: {  	s10 =	ssub.s32 $0x2, s6;
	s8 =	smul.u32 $0x13C00, s8;
	s4 =	sadd.s32 s9, s4  }
0xc: {  	s17 =	sand.u32 $0x380, s11;
	s18 =	sshll.u32 s6, $0xF;
	s6 =	smul.u32 $0x2800, s6  }
0xd: {  	s16 =	sshrl.u32 s10, $0x1;
	s4 =	sadd.s32 s18, s4;
	s21 =	sshrl.u32 s19, $0x2  }
0xe: {  	s23 =	sor.u32 $0x50, s12;
	s11 =	sadd.s32 $0xF0, s12;
	s7 =	sadd.s32 s7, s8  }
0xf: {  	s9 =	ssub.s32 s10, s16;
	s20 =	sadd.s32 $0x400, s4;
	s22 =	sadd.s32 s12, s6  }
0x10: {  	s8 =	sadd.s32 s21, s3;
	s25 =	sadd.s32 s6, s23;
	s26 =	sshll.u32 s23, $0x7  }
0x11: {  	s10 =	sadd.s32 $0xA0, s12;
	s23 =	sadd.s32 $0x140, s12;
	s15 =	sadd.s32 s6, s11  }
0x12: {  	s7 =	sor.u32 s17, s7;
	[dreg:$0x8] =	wrdreg s20;
	s24 =	sshll.u32 s22, $0x4  }
0x13: {  	s4 =	sshll.u32 s25, $0x4;
	s22 =	smax.u32 s9, $0x1;
	s25 =	sadd.s32 $0x1E0, s12  }
0x14: {  	s13 =	sadd.s32 s6, s10;
	s14 =	sadd.s32 s6, s23;
	s21 =	sshll.u32 s10, $0x7  }
0x15: {  	s23 =	sshll.u32 s23, $0x7;
	s9 =	simm.s32 $0x5;
	s10 =	simm.s32 $0x6  }
0x16: {  	s7 =	sshrl.u32 s7, $0x3;
	[dreg:$0xc] =	wrdreg s22;
	s14 =	sshll.u32 s14, $0x4  }
0x17: {  	s19 =	sadd.s32 s6, s25;
	s22 =	sshll.u32 s11, $0x7;
	s25 =	sshll.u32 s25, $0x7  }
0x18: {  	s11 =	simm.s32 $0x4;
	s2 =	sadd.s32 s2, s7;
	s7 =	sadd.s32 s0, s4  }
0x19: {  	s17 =	sadd.s32 s0, s14;
	s4 =	simm.s32 $0x1;
	[dreg:$0x7] =	wrdreg s2  }
0x1a: {  	s14 =	simm.s32 $0x0;
	s2 =	sadd.s32 s0, s24;
	[dreg:$0xb] =	wrdreg s7  }
0x1b: {  	s24 =	sadd.s32 $0x190, s12;
	[dreg:$0xf] =	wrdreg s17;
	s7 =	simm.s32 $0xA380  }
0x1c: {  	[dreg:$0x9] =	wrdreg s2;
	s2 =	sadd.s32 s26, s3;
	s26 =	sadd.s32 $0x230, s12  }
0x1d: {  	s12 =	sshll.u32 s13, $0x4;
	s13 =	sshll.u32 s15, $0x4;
	s18 =	sadd.s32 s6, s24  }
0x1e: {  	s24 =	sshll.u32 s24, $0x7;
	[dreg:$0xa] =	wrdreg s2;
	s12 =	sadd.s32 s0, s12  }
0x1f: {  	s16 =	sadd.s32 s0, s13;
	s6 =	sadd.s32 s6, s26;
	s13 =	sshll.u32 s19, $0x4  }
0x20: {  	s19 =	sadd.s32 $0x2800, s8;
	s26 =	sshll.u32 s26, $0x7;
	[dreg:$0xd] =	wrdreg s12  }
0x21: {  	s2 =	simm.s32 $0x2;
	[dreg:$0xe] =	wrdreg s16;
	s12 =	sshll.u32 s18, $0x4  }
0x22: {  	s6 =	sshll.u32 s6, $0x4;
	s20 =	sadd.s32 s0, s13;
	s13 =	simm.s32 $0x26E8  }
0x23: {  	s12 =	sadd.s32 s0, s12;
	[dreg:$0x11] =	wrdreg s20;
	s0 =	sadd.s32 s0, s6  }
0x24: {  	s20 =	sadd.s32 s21, s3;
	s21 =	sadd.s32 s22, s3;
	s22 =	sadd.s32 s23, s3  }
0x25: {  	s23 =	sadd.s32 s24, s3;
	s24 =	sadd.s32 s25, s3;
	s25 =	sadd.s32 s26, s3  }
0x26: {  	s26 =	simm.s32 $0x6780;
	s6 =	simm.s32 $0x8F80;
	[dreg:$0x10] =	wrdreg s12  }
0x27: {  	[dreg:$0x12] =	wrdreg s0;
	s0 =	simm.s32 $0x3;
	s12 =	simm.s32 $0x26C0  }
.LBB2_1:
0x28: {  	s15 =	rddreg [dreg:$0x3]  }
0x29: {  	[tilespmem:s26], [sflag:$0x7] =	stream.linear.gather [hbm4b:s15+s5], $0x2800, $0x38;
	[tilespmem:$0x1F780] =	vst v63  }
0x2a: {  	_ =	swait.ge [sflag:s28], $0x2800  }
0x2b: {  	[sflag:s28] =	ssyncset.done $0x0  }
0x2c: {  	[sflag:s28] =	ssyncadd.s32 $0xFFFFD800  }
0x2d: {  	[spmem:s8] =	stream.linear.scatter [tilespmem:s26], [sflag:$0x3], $0x2800, $0x38;
	[tilespmem:$0x1F780] =	vst v63  }
0x2e: {  	_ = 	snop  }
0x2f: {  	[spmem:s19] =	stream.linear.scatter [tilespmem:s26], [sflag:$0x3], $0x2800, $0x38;
	[tilespmem:$0x1F780] =	vst v63  }
0x30: {  	_ = 	snop  }
0x31: {  	[spmem:s20] =	stream.linear.scatter [tilespmem:s26], [sflag:$0x3], $0x2800, $0x38;
	[tilespmem:$0x1F780] =	vst v63  }
0x32: {  	_ = 	snop  }
0x33: {  	[spmem:s21] =	stream.linear.scatter [tilespmem:s26], [sflag:$0x3], $0x2800, $0x38;
	[tilespmem:$0x1F780] =	vst v63  }
0x34: {  	_ = 	snop  }
0x35: {  	[spmem:s22] =	stream.linear.scatter [tilespmem:s26], [sflag:$0x3], $0x2800, $0x38;
	[tilespmem:$0x1F780] =	vst v63  }
0x36: {  	_ = 	snop  }
0x37: {  	[spmem:s23] =	stream.linear.scatter [tilespmem:s26], [sflag:$0x3], $0x2800, $0x38;
	[tilespmem:$0x1F780] =	vst v63  }
0x38: {  	_ = 	snop  }
0x39: {  	[spmem:s24] =	stream.linear.scatter [tilespmem:s26], [sflag:$0x3], $0x2800, $0x38;
	[tilespmem:$0x1F780] =	vst v63  }
0x3a: {  	_ = 	snop  }
0x3b: {  	[spmem:s25] =	stream.linear.scatter [tilespmem:s26], [sflag:$0x3], $0x2800, $0x38;
	[tilespmem:$0x1F780] =	vst v63  }
0x3c: {  	s16 =	simm.s32 $0x80;
	s17 =	simm.s32 $0x400;
	s18 =	rddreg [dreg:$0x7]  }
0x3d: {  	[tilespmem:s5], [sflag:$0x1] =	stream.strided.gather [hbm4b:s18+s16], $0x2780, s17, s16, $0x38;
	[tilespmem:$0x1F780] =	vst v63  }
0x3e: {  	s17 =	rddreg [dreg:$0x8];
	s18 =	simm.s32 $0x2780  }
0x3f: {  	[tilespmem:s18], [sflag:$0x2] =	stream.linear.gather [hbm4b:s17+s5], $0x3E80, $0x38;
	[tilespmem:$0x1F780] =	vst v63  }
0x40: {  	_ =	swait.ge [sflag:s0], $0x2800  }
0x41: {  	[sflag:s0] =	ssyncset.done $0x0  }
0x42: {  	[sflag:s0] =	ssyncadd.s32 $0xFFFFD800  }
0x43: {  	_ =	swait.ge [sflag:s0], $0x2800  }
0x44: {  	[sflag:s0] =	ssyncset.done $0x0  }
0x45: {  	[sflag:s0] =	ssyncadd.s32 $0xFFFFD800  }
0x46: {  	_ =	swait.ge [sflag:s0], $0x2800  }
0x47: {  	[sflag:s0] =	ssyncset.done $0x0  }
0x48: {  	[sflag:s0] =	ssyncadd.s32 $0xFFFFD800  }
0x49: {  	_ =	swait.ge [sflag:s0], $0x2800  }
0x4a: {  	[sflag:s0] =	ssyncset.done $0x0  }
0x4b: {  	[sflag:s0] =	ssyncadd.s32 $0xFFFFD800  }
0x4c: {  	_ =	swait.ge [sflag:s0], $0x2800  }
0x4d: {  	[sflag:s0] =	ssyncset.done $0x0  }
0x4e: {  	[sflag:s0] =	ssyncadd.s32 $0xFFFFD800  }
0x4f: {  	_ =	swait.ge [sflag:s0], $0x2800  }
0x50: {  	[sflag:s0] =	ssyncset.done $0x0  }
0x51: {  	[sflag:s0] =	ssyncadd.s32 $0xFFFFD800  }
0x52: {  	_ =	swait.ge [sflag:s0], $0x2800  }
0x53: {  	[sflag:s0] =	ssyncset.done $0x0  }
0x54: {  	[sflag:s0] =	ssyncadd.s32 $0xFFFFD800  }
0x55: {  	_ =	swait.ge [sflag:s0], $0x2800  }
0x56: {  	[sflag:s0] =	ssyncset.done $0x0  }
0x57: {  	[sflag:s0] =	ssyncadd.s32 $0xFFFFD800  }
0x58: {  	_ =	swait.ge [sflag:s4], $0x2780  }
0x59: {  	[sflag:s4] =	ssyncset.done $0x0  }
0x5a: {  	[sflag:s4] =	ssyncadd.s32 $0xFFFFD880  }
0x5b: {  	_ =	swait.ge [sflag:s2], $0x3E80  }
0x5c: {  	[sflag:s2] =	ssyncset.done $0x0  }
0x5d: {  	[sflag:s2] =	ssyncadd.s32 $0xFFFFC180  }
0x5e: {  	[bflag:$0x0] =	sbarrier.arrive $0xFFFF  }
0x5f: {  	[tilespmem:s26], [sflag:$0x1] =	stream.indirect.gather [hbm4b:s1+s29], $0x80, s5, s29, $0xb8;
	[tilespmem:$0x1F780] =	vst v63  }
0x60: {  	_ = 	snop  }
0x61: {  	[tilespmem:s30], [sflag:$0x5] =	stream.indirect.gather [hbm4b:s1+s29], $0x80, s29, s29, $0xb8;
	[tilespmem:$0x1F780] =	vst v63  }
0x62: {  	_ = 	snop  }
0x63: {  	[tilespmem:s6], [sflag:$0x2] =	stream.indirect.gather [hbm4b:s1+s29], $0x80, s31, s29, $0xb8;
	[tilespmem:$0x1F780] =	vst v63  }
0x64: {  	s16 =	simm.s32 $0x78  }
0x65: {  	[tilespmem:s7], [sflag:$0x6] =	stream.indirect.gather [hbm4b:s1+s29], $0x80, s16, s29, $0xb8;
	[tilespmem:$0x1F780] =	vst v63  }
0x66: {  	_ =	swait.ge [sflag:s4], $0x1400  }
0x67: {  	[sflag:s4] =	ssyncset.done $0x0  }
0x68: {  	[sflag:s4] =	ssyncadd.s32 $0xFFFFEC00  }
0x69: {  	_ =	swait.ge [sflag:s9], $0x1400  }
0x6a: {  	[sflag:s9] =	ssyncset.done $0x0  }
0x6b: {  	s17 =	simm.s32 $0x2780;
	[sflag:s9] =	ssyncadd.s32 $0xFFFFEC00  }
0x6c: {  	[spmem:s3] =	stream.indirect.scatter.add.f32 [tilespmem:s26], [sflag:$0x3], $0x80, s17, s31, $0xb8;
	[tilespmem:$0x1F780] =	vst v63  }
0x6d: {  	_ =	swait.ge [sflag:s2], $0x1400  }
0x6e: {  	[sflag:s2] =	ssyncset.done $0x0  }
0x6f: {  	[sflag:s2] =	ssyncadd.s32 $0xFFFFEC00  }
0x70: {  	_ =	swait.ge [sflag:s10], $0x1400  }
0x71: {  	[sflag:s10] =	ssyncset.done $0x0  }
0x72: {  	s18 =	simm.s32 $0x2800;
	[sflag:s10] =	ssyncadd.s32 $0xFFFFEC00  }
0x73: {  	[spmem:s3] =	stream.indirect.scatter.add.f32 [tilespmem:s6], [sflag:$0x4], $0x80, s18, s31, $0xb8;
	[tilespmem:$0x1F780] =	vst v63  }
0x74: {  	_ =	swait.ge [sflag:s0], $0x2800  }
0x75: {  	[sflag:s0] =	ssyncset.done $0x0  }
0x76: {  	s16 =	simm.s32 $0xA0;
	[sflag:s0] =	ssyncadd.s32 $0xFFFFD800  }
0x77: {  	[tilespmem:s26], [sflag:$0x1] =	stream.indirect.gather [hbm4b:s1+s29], $0x80, s16, s29, $0xb8;
	[tilespmem:$0x1F780] =	vst v63  }
0x78: {  	s17 =	simm.s32 $0xC8  }
0x79: {  	[tilespmem:s30], [sflag:$0x5] =	stream.indirect.gather [hbm4b:s1+s29], $0x80, s17, s29, $0xb8;
	[tilespmem:$0x1F780] =	vst v63  }
0x7a: {  	_ =	swait.ge [sflag:s11], $0x2800  }
0x7b: {  	s15 =	simm.s32 $0x280;
	s18 =	simm.s32 $0xF0;
	[sflag:s11] =	ssyncset.done $0x0  }
0x7c: {  	s16 =	simm.s32 $0x2900;
	s17 =	simm.s32 $0x118;
	[sflag:s11] =	ssyncadd.s32 $0xFFFFD800  }
0x7d: {  	[tilespmem:s6], [sflag:$0x2] =	stream.indirect.gather [hbm4b:s1+s29], $0x80, s18, s29, $0xb8;
	[tilespmem:$0x1F780] =	vst v63  }
.LBB2_2:
0x7e: {  	[tilespmem:s7], [sflag:$0x6] =	stream.indirect.gather [hbm4b:s1+s29], $0x80, s17, s29, $0xb8;
	[tilespmem:$0x1F780] =	vst v63  }
0x7f: {  	s17 =	smov.u32 s15  }
0x80: {  	p0 =	sne.s32 s15, $0x9600;
	s15 =	sadd.s32 $0x280, s15;
	_ =	swait.ge [sflag:s4], $0x1400  }
0x81: {  	[sflag:s4] =	ssyncset.done $0x0  }
0x82: {  	[sflag:s4] =	ssyncadd.s32 $0xFFFFEC00  }
0x83: {  	_ =	swait.ge [sflag:s9], $0x1400  }
0x84: {  	[sflag:s9] =	ssyncset.done $0x0  }
0x85: {  	s18 =	sadd.s32 $0xFFFFFF80, s16;
	[sflag:s9] =	ssyncadd.s32 $0xFFFFEC00  }
0x86: {  	[spmem:s3] =	stream.indirect.scatter.add.f32 [tilespmem:s26], [sflag:$0x3], $0x80, s18, s31, $0xb8;
	[tilespmem:$0x1F780] =	vst v63  }
0x87: {  	_ =	swait.ge [sflag:s2], $0x1400  }
0x88: {  	[sflag:s2] =	ssyncset.done $0x0  }
0x89: {  	[sflag:s2] =	ssyncadd.s32 $0xFFFFEC00  }
0x8a: {  	_ =	swait.ge [sflag:s10], $0x1400  }
0x8b: {  	[sflag:s10] =	ssyncset.done $0x0  }
0x8c: {  	[sflag:s10] =	ssyncadd.s32 $0xFFFFEC00  }
0x8d: {  	[spmem:s3] =	stream.indirect.scatter.add.f32 [tilespmem:s6], [sflag:$0x4], $0x80, s16, s31, $0xb8;
	[tilespmem:$0x1F780] =	vst v63  }
0x8e: {  	_ =	swait.ge [sflag:s0], $0x2800  }
0x8f: {  	s17 =	sshra.s32 s17, $0x2;
	[sflag:s0] =	ssyncset.done $0x0  }
0x90: {  	s18 =	sadd.s32 $0xA0, s17;
	[sflag:s0] =	ssyncadd.s32 $0xFFFFD800  }
0x91: {  	[tilespmem:s26], [sflag:$0x1] =	stream.indirect.gather [hbm4b:s1+s29], $0x80, s18, s29, $0xb8;
	[tilespmem:$0x1F780] =	vst v63  }
0x92: {  	s18 =	sadd.s32 $0xC8, s17  }
0x93: {  	[tilespmem:s30], [sflag:$0x5] =	stream.indirect.gather [hbm4b:s1+s29], $0x80, s18, s29, $0xb8;
	[tilespmem:$0x1F780] =	vst v63  }
.Ltmp0:
0x94: {  	_ =	swait.ge [sflag:s11], $0x2800;
	(pc) =	sbr.rel @p0 .LBB2_2-.Ltmp0, $4  }
0x95: {  	[sflag:s11] =	ssyncset.done $0x0  }
0x96: {  	s18 =	sadd.s32 $0xF0, s17;
	[sflag:s11] =	ssyncadd.s32 $0xFFFFD800  }
0x97: {  	[tilespmem:s6], [sflag:$0x2] =	stream.indirect.gather [hbm4b:s1+s29], $0x80, s18, s29, $0xb8;
	[tilespmem:$0x1F780] =	vst v63  }
0x98: {  	s16 =	sadd.s32 $0x100, s16;
	s17 =	sadd.s32 $0x118, s17  }
0x99: {  	[tilespmem:s7], [sflag:$0x6] =	stream.indirect.gather [hbm4b:s1+s29], $0x80, s17, s29, $0xb8;
	[tilespmem:$0x1F780] =	vst v63  }
0x9a: {  	_ =	swait.ge [sflag:s4], $0x1400  }
0x9b: {  	[sflag:s4] =	ssyncset.done $0x0  }
0x9c: {  	[sflag:s4] =	ssyncadd.s32 $0xFFFFEC00  }
0x9d: {  	_ =	swait.ge [sflag:s9], $0x1400  }
0x9e: {  	[sflag:s9] =	ssyncset.done $0x0  }
0x9f: {  	s15 =	simm.s32 $0x6480;
	[sflag:s9] =	ssyncadd.s32 $0xFFFFEC00  }
0xa0: {  	[spmem:s3] =	stream.indirect.scatter.add.f32 [tilespmem:s26], [sflag:$0x3], $0x80, s15, s31, $0xb8;
	[tilespmem:$0x1F780] =	vst v63  }
0xa1: {  	_ =	swait.ge [sflag:s2], $0x1400  }
0xa2: {  	[sflag:s2] =	ssyncset.done $0x0  }
0xa3: {  	[sflag:s2] =	ssyncadd.s32 $0xFFFFEC00  }
0xa4: {  	_ =	swait.ge [sflag:s10], $0x1400  }
0xa5: {  	[sflag:s10] =	ssyncset.done $0x0  }
0xa6: {  	s16 =	simm.s32 $0x6500;
	[sflag:s10] =	ssyncadd.s32 $0xFFFFEC00  }
0xa7: {  	[spmem:s3] =	stream.indirect.scatter.add.f32 [tilespmem:s6], [sflag:$0x4], $0x80, s16, s31, $0xb8;
	[tilespmem:$0x1F780] =	vst v63  }
0xa8: {  	_ =	swait.ge [sflag:s0], $0x2800  }
0xa9: {  	[sflag:s0] =	ssyncset.done $0x0  }
0xaa: {  	[sflag:s0] =	ssyncadd.s32 $0xFFFFD800  }
0xab: {  	[tilespmem:s26], [sflag:$0x1] =	stream.indirect.gather [hbm4b:s1+s29], $0x80, s12, s29, $0xb8;
	[tilespmem:$0x1F780] =	vst v63  }
0xac: {  	_ = 	snop  }
0xad: {  	[tilespmem:s30], [sflag:$0x5] =	stream.indirect.gather [hbm4b:s1+s29], $0x80, s13, s29, $0xb8;
	[tilespmem:$0x1F780] =	vst v63  }
0xae: {  	_ =	swait.ge [sflag:s11], $0x2800  }
0xaf: {  	[sflag:s11] =	ssyncset.done $0x0  }
0xb0: {  	[sflag:s11] =	ssyncadd.s32 $0xFFFFD800  }
0xb1: {  	[tilespmem:s6], [sflag:$0x2] =	stream.indirect.gather [hbm4b:s1+s29], $0x80, s12, s29, $0xb8;
	[tilespmem:$0x1F780] =	vst v63  }
0xb2: {  	_ = 	snop  }
0xb3: {  	[tilespmem:s7], [sflag:$0x6] =	stream.indirect.gather [hbm4b:s1+s29], $0x80, s13, s29, $0xb8;
	[tilespmem:$0x1F780] =	vst v63  }
0xb4: {  	_ =	swait.ge [sflag:s4], $0x1400  }
0xb5: {  	[sflag:s4] =	ssyncset.done $0x0  }
0xb6: {  	[sflag:s4] =	ssyncadd.s32 $0xFFFFEC00  }
0xb7: {  	_ =	swait.ge [sflag:s9], $0x1400  }
0xb8: {  	[sflag:s9] =	ssyncset.done $0x0  }
0xb9: {  	s17 =	simm.s32 $0x6580;
	[sflag:s9] =	ssyncadd.s32 $0xFFFFEC00  }
0xba: {  	[spmem:s3] =	stream.indirect.scatter.add.f32 [tilespmem:s26], [sflag:$0x7], $0x80, s17, s31, $0xb8;
	[tilespmem:$0x1F780] =	vst v63  }
0xbb: {  	_ =	swait.ge [sflag:s28], $0x2800  }
0xbc: {  	[sflag:s28] =	ssyncset.done $0x0  }
0xbd: {  	[sflag:s28] =	ssyncadd.s32 $0xFFFFD800  }
0xbe: {  	_ =	swait.ge [sflag:s2], $0x1400  }
0xbf: {  	[sflag:s2] =	ssyncset.done $0x0  }
0xc0: {  	[sflag:s2] =	ssyncadd.s32 $0xFFFFEC00  }
0xc1: {  	_ =	swait.ge [sflag:s10], $0x1400  }
0xc2: {  	[sflag:s10] =	ssyncset.done $0x0  }
0xc3: {  	[sflag:s10] =	ssyncadd.s32 $0xFFFFEC00  }
0xc4: {  	[bflag:$0x0] =	sbarrier.arrive $0xFFFF  }
0xc5: {  	[tilespmem:s26], [sflag:$0x7] =	stream.linear.gather [spmem:s8], $0x2800, $0x38;
	[tilespmem:$0x1F780] =	vst v63  }
0xc6: {  	_ =	swait.ge [sflag:s28], $0x2800  }
0xc7: {  	[sflag:s28] =	ssyncset.done $0x0  }
0xc8: {  	s18 =	rddreg [dreg:$0x9];
	[sflag:s28] =	ssyncadd.s32 $0xFFFFD800  }
0xc9: {  	[hbm4b:s18+s5] =	stream.linear.scatter [tilespmem:s26], [sflag:$0x3], $0x2800, $0x38;
	[tilespmem:$0x1F780] =	vst v63  }
0xca: {  	s16 =	rddreg [dreg:$0xa]  }
0xcb: {  	[tilespmem:s6], [sflag:$0x7] =	stream.linear.gather [spmem:s16], $0x2800, $0x38;
	[tilespmem:$0x1F780] =	vst v63  }
0xcc: {  	_ =	swait.ge [sflag:s28], $0x2800  }
0xcd: {  	[sflag:s28] =	ssyncset.done $0x0  }
0xce: {  	s17 =	rddreg [dreg:$0xb];
	[sflag:s28] =	ssyncadd.s32 $0xFFFFD800  }
0xcf: {  	[hbm4b:s17+s5] =	stream.linear.scatter [tilespmem:s6], [sflag:$0x4], $0x2800, $0x38;
	[tilespmem:$0x1F780] =	vst v63  }
0xd0: {  	_ =	swait.ge [sflag:s0], $0x2800  }
0xd1: {  	[sflag:s0] =	ssyncset.done $0x0  }
0xd2: {  	[sflag:s0] =	ssyncadd.s32 $0xFFFFD800  }
0xd3: {  	[tilespmem:s26], [sflag:$0x7] =	stream.linear.gather [spmem:s20], $0x2800, $0x38;
	[tilespmem:$0x1F780] =	vst v63  }
0xd4: {  	_ =	swait.ge [sflag:s28], $0x2800  }
0xd5: {  	[sflag:s28] =	ssyncset.done $0x0  }
0xd6: {  	s18 =	rddreg [dreg:$0xd];
	[sflag:s28] =	ssyncadd.s32 $0xFFFFD800  }
0xd7: {  	[hbm4b:s18+s5] =	stream.linear.scatter [tilespmem:s26], [sflag:$0x3], $0x2800, $0x38;
	[tilespmem:$0x1F780] =	vst v63  }
0xd8: {  	_ =	swait.ge [sflag:s11], $0x2800  }
0xd9: {  	[sflag:s11] =	ssyncset.done $0x0  }
0xda: {  	[sflag:s11] =	ssyncadd.s32 $0xFFFFD800  }
0xdb: {  	[tilespmem:s6], [sflag:$0x7] =	stream.linear.gather [spmem:s21], $0x2800, $0x38;
	[tilespmem:$0x1F780] =	vst v63  }
0xdc: {  	_ =	swait.ge [sflag:s28], $0x2800  }
0xdd: {  	[sflag:s28] =	ssyncset.done $0x0  }
0xde: {  	s16 =	rddreg [dreg:$0xe];
	[sflag:s28] =	ssyncadd.s32 $0xFFFFD800  }
0xdf: {  	[hbm4b:s16+s5] =	stream.linear.scatter [tilespmem:s6], [sflag:$0x4], $0x2800, $0x38;
	[tilespmem:$0x1F780] =	vst v63  }
0xe0: {  	_ =	swait.ge [sflag:s0], $0x2800  }
0xe1: {  	[sflag:s0] =	ssyncset.done $0x0  }
0xe2: {  	[sflag:s0] =	ssyncadd.s32 $0xFFFFD800  }
0xe3: {  	[tilespmem:s26], [sflag:$0x7] =	stream.linear.gather [spmem:s22], $0x2800, $0x38;
	[tilespmem:$0x1F780] =	vst v63  }
0xe4: {  	_ =	swait.ge [sflag:s28], $0x2800  }
0xe5: {  	[sflag:s28] =	ssyncset.done $0x0  }
0xe6: {  	s17 =	rddreg [dreg:$0xf];
	[sflag:s28] =	ssyncadd.s32 $0xFFFFD800  }
0xe7: {  	[hbm4b:s17+s5] =	stream.linear.scatter [tilespmem:s26], [sflag:$0x3], $0x2800, $0x38;
	[tilespmem:$0x1F780] =	vst v63  }
0xe8: {  	_ =	swait.ge [sflag:s11], $0x2800  }
0xe9: {  	[sflag:s11] =	ssyncset.done $0x0  }
0xea: {  	[sflag:s11] =	ssyncadd.s32 $0xFFFFD800  }
0xeb: {  	[tilespmem:s6], [sflag:$0x7] =	stream.linear.gather [spmem:s23], $0x2800, $0x38;
	[tilespmem:$0x1F780] =	vst v63  }
0xec: {  	_ =	swait.ge [sflag:s28], $0x2800  }
0xed: {  	[sflag:s28] =	ssyncset.done $0x0  }
0xee: {  	s18 =	rddreg [dreg:$0x10];
	[sflag:s28] =	ssyncadd.s32 $0xFFFFD800  }
0xef: {  	[hbm4b:s18+s5] =	stream.linear.scatter [tilespmem:s6], [sflag:$0x4], $0x2800, $0x38;
	[tilespmem:$0x1F780] =	vst v63  }
0xf0: {  	_ =	swait.ge [sflag:s0], $0x2800  }
0xf1: {  	[sflag:s0] =	ssyncset.done $0x0  }
0xf2: {  	[sflag:s0] =	ssyncadd.s32 $0xFFFFD800  }
0xf3: {  	[tilespmem:s26], [sflag:$0x7] =	stream.linear.gather [spmem:s24], $0x2800, $0x38;
	[tilespmem:$0x1F780] =	vst v63  }
0xf4: {  	_ =	swait.ge [sflag:s28], $0x2800  }
0xf5: {  	[sflag:s28] =	ssyncset.done $0x0  }
0xf6: {  	s16 =	rddreg [dreg:$0x11];
	[sflag:s28] =	ssyncadd.s32 $0xFFFFD800  }
0xf7: {  	[hbm4b:s16+s5] =	stream.linear.scatter [tilespmem:s26], [sflag:$0x3], $0x2800, $0x38;
	[tilespmem:$0x1F780] =	vst v63  }
0xf8: {  	_ =	swait.ge [sflag:s11], $0x2800  }
0xf9: {  	[sflag:s11] =	ssyncset.done $0x0  }
0xfa: {  	[sflag:s11] =	ssyncadd.s32 $0xFFFFD800  }
0xfb: {  	[tilespmem:s6], [sflag:$0x7] =	stream.linear.gather [spmem:s25], $0x2800, $0x38;
	[tilespmem:$0x1F780] =	vst v63  }
0xfc: {  	_ =	swait.ge [sflag:s28], $0x2800  }
0xfd: {  	[sflag:s28] =	ssyncset.done $0x0  }
0xfe: {  	s17 =	rddreg [dreg:$0x12];
	[sflag:s28] =	ssyncadd.s32 $0xFFFFD800  }
0xff: {  	[hbm4b:s17+s5] =	stream.linear.scatter [tilespmem:s6], [sflag:$0x4], $0x2800, $0x38;
	[tilespmem:$0x1F780] =	vst v63  }
0x100: {  	_ =	swait.ge [sflag:s0], $0x2800  }
0x101: {  	[sflag:s0] =	ssyncset.done $0x0  }
0x102: {  	[sflag:s0] =	ssyncadd.s32 $0xFFFFD800  }
0x103: {  	_ =	swait.ge [sflag:s11], $0x2800  }
0x104: {  	s14 =	sadd.s32 $0x1, s14;
	s18 =	rddreg [dreg:$0xc]  }
0x105: {  	p0 =	sne.s32 s14, s18  }
.Ltmp1:
0x106: {  	_ = 	snop;
	(pc) =	sbr.rel @p0 .LBB2_1-.Ltmp1, $3  }
0x107: {  	_ =	sdelay $0x1  }
0x108: {  	[sflag:s11] =	ssyncset.done $0x0  }
0x109: {  	[sflag:s11] =	ssyncadd.s32 $0xFFFFD800  }
0x10a: {  	_ =	sfence.sel $0x180000  }
0x10b: {  	[bflag:$0x0] =	sbarrier.arrive $0xFFFF  }
0x10c: {  	_ =	strace $0x90000047  }
0x10d: {  	s0 =	stileid.u32;
	[bflag:$0x2] =	sbarrier.arrive $0xFFFF  }
0x10e: {  	p0 =	sne.s32 s0, $0x0;
	s0 =	rddreg [dreg:$0x6]  }
0x10f: {  	s0 =	sadd.s32 @!p0 $0x100000, s0  }
0x110: {  	[sflag:s0] =	ssyncadd.tile.s32 @!p0 $0x1;
	_ =	shalt  }
.Lfunc_end2:
_tile_overlayer_lowered:
.L_overlay_start_2:
0x111: {  	(tag) =	ssettag $0x2  }
0x112: {  	s0 =	rddreg [dreg:$0x0];
	s2 =	stileid.u32  }
0x113: {  	s1 =	rddreg [dreg:$0x1];
	p0 =	sne.s32 s2, $0x0  }
0x114: {  	s3 =	rddreg [dreg:$0x2];
	[bflag:$0x3] =	sbarrier.arrive $0xFFFF;
	s2 =	simm.s32 @!p0 $0x1C07  }
0x115: {  	[timem:s3], [sflag:s2] =	dma.local @!p0 [hbm:s0], s1  }
0x116: {  	s0 =	simm.s32 @!p0 $0x7  }
0x117: {  	_ =	swait.ge @!p0 [sflag:s0], s1  }
0x118: {  	s1 =	ssub.s32 @!p0 $0x0, s1;
	[sflag:s0] =	ssyncset.done @!p0 $0x0  }
0x119: {  	[sflag:s0] =	ssyncadd.s32 @!p0 s1  }
0x11a: {  	[bflag:$0x3] =	sbarrier.arrive $0xFFFF  }
0x11b: {  	_ =	shalt  }

</sc_bundles>
